<compile_context>
chip_gen: v7x
topology: tpu7x:2x2x1
jax: 0.10.2.dev20260603
libtpu: 0.0.44.dev20260713+nightly
codegen_flags: <defaults>
</compile_context>

<pallas_src>
import functools

import jax
import jax.numpy as jnp
from jax import lax
from jax.experimental import pallas as pl
from jax.experimental.pallas import tpu as pltpu
from jax.experimental.pallas import tpu_sc as plsc

D_MODEL = 1024
N_EXPERTS = 16
TOPK = 2
D_FF = 2048
LBW = 0.01
FBLK = 1024
NF = D_FF // FBLK
T_TOKENS = 128
SC_TILES = 16
TPT = T_TOKENS // SC_TILES



def _moe_kernel(x_ref, gw_ref, w1_ref, v1_ref, w2_ref, out_ref, logits_ref,
                combine_scr):
    e = pl.program_id(0)
    f = pl.program_id(1)
    first = jnp.logical_and(e == 0, f == 0)

    @pl.when(first)
    def _gating():
        x = x_ref[:]
        logits = jax.lax.dot_general(
            x, gw_ref[:], (((1,), (1,)), ((), ())),
            preferred_element_type=jnp.float32)
        logits_ref[:] = logits
        m = jnp.max(logits, axis=1, keepdims=True)
        p = jnp.exp(logits - m)
        p = p / jnp.sum(p, axis=1, keepdims=True)
        lane = jax.lax.broadcasted_iota(jnp.int32, p.shape, 1)
        s1 = jnp.max(p, axis=1, keepdims=True)
        i1 = jnp.min(jnp.where(p == s1, lane, N_EXPERTS), axis=1,
                     keepdims=True)
        oh1 = (lane == i1).astype(jnp.float32)
        p2 = jnp.where(lane == i1, -jnp.inf, p)
        s2 = jnp.max(p2, axis=1, keepdims=True)
        i2 = jnp.min(jnp.where(p2 == s2, lane, N_EXPERTS), axis=1,
                     keepdims=True)
        oh2 = (lane == i2).astype(jnp.float32)
        combine_scr[:] = s1 * oh1 + s2 * oh2

    x = x_ref[:]
    w1 = w1_ref[0]
    v1 = v1_ref[0]
    h = jax.lax.dot_general(x, w1, (((1,), (1,)), ((), ())),
                            preferred_element_type=jnp.float32)
    v = jax.lax.dot_general(x, v1, (((1,), (1,)), ((), ())),
                            preferred_element_type=jnp.float32)
    g = (h * jax.nn.sigmoid(h)) * v
    cm = combine_scr[:]
    lane_e = jax.lax.broadcasted_iota(jnp.int32, cm.shape, 1)
    c = jnp.sum(jnp.where(lane_e == e, cm, 0.0), axis=1, keepdims=True)
    g = g * c
    w2 = w2_ref[0]
    y = jax.lax.dot_general(g, w2, (((1,), (1,)), ((), ())),
                            preferred_element_type=jnp.float32)

    @pl.when(first)
    def _init():
        out_ref[:] = y

    @pl.when(jnp.logical_not(first))
    def _acc():
        out_ref[:] += y


def _tc_experts(xf, gate_W, W1, V1, W2):
    T, D = xf.shape
    grid = (N_EXPERTS, NF)
    return pl.pallas_call(
        _moe_kernel,
        grid=grid,
        in_specs=[
            pl.BlockSpec((T, D), lambda e, f: (0, 0)),
            pl.BlockSpec((N_EXPERTS, D), lambda e, f: (0, 0)),
            pl.BlockSpec((1, FBLK, D), lambda e, f: (e, f, 0)),
            pl.BlockSpec((1, FBLK, D), lambda e, f: (e, f, 0)),
            pl.BlockSpec((1, D, FBLK), lambda e, f: (e, 0, f)),
        ],
        out_specs=[
            pl.BlockSpec((T, D), lambda e, f: (0, 0)),
            pl.BlockSpec((T, N_EXPERTS), lambda e, f: (0, 0)),
        ],
        out_shape=[
            jax.ShapeDtypeStruct((T, D), jnp.float32),
            jax.ShapeDtypeStruct((T, N_EXPERTS), jnp.float32),
        ],
        scratch_shapes=[pltpu.VMEM((T, N_EXPERTS), jnp.float32)],
    )(xf, gate_W, W1, V1, W2)



def _lane_max(v):
    return plsc.cummax(v)[15]


def _lane_sum(v):
    return plsc.cumsum(v)[15]


def _lane_min(v):
    return -plsc.cummax(-v)[15]


def _sc_aux_body(logits_hbm, aux_hbm, part_hbm, lv, myboth, buf, auxv):
    sid = lax.axis_index("s")
    base = sid * TPT
    pltpu.sync_copy(logits_hbm.at[pl.ds(base, TPT)], lv)

    lane = lax.broadcasted_iota(jnp.int32, (16,), 0).astype(jnp.float32)
    load_acc = jnp.zeros((16,), jnp.float32)
    psum_acc = jnp.zeros((16,), jnp.float32)
    for tt in range(TPT):
        l = lv[tt]
        m = _lane_max(l)
        p = jnp.exp(l - m)
        p = p / _lane_sum(p)
        s1 = _lane_max(p)
        i1 = _lane_min(jnp.where(p == s1, lane, 16.0))
        oh1 = lane == i1
        p2 = jnp.where(oh1, -jnp.inf, p)
        s2 = _lane_max(p2)
        i2 = _lane_min(jnp.where(p2 == s2, lane, 16.0))
        oh2 = lane == i2
        load_acc = load_acc + jnp.where(oh1, 1.0, 0.0) + jnp.where(
            oh2, 1.0, 0.0)
        psum_acc = psum_acc + p

    myboth[0] = load_acc
    myboth[1] = psum_acc
    pltpu.sync_copy(myboth, part_hbm.at[sid])
    plsc.subcore_barrier()

    @pl.when(sid == 0)
    def _finalize():
        pltpu.sync_copy(part_hbm, buf)
        ld = jnp.zeros((16,), jnp.float32)
        ps = jnp.zeros((16,), jnp.float32)
        for i in range(SC_TILES):
            ld = ld + buf[i, 0]
            ps = ps + buf[i, 1]
        scale = N_EXPERTS * LBW / (T_TOKENS * T_TOKENS)
        aux = _lane_sum(ld * ps) * scale
        auxv[...] = jnp.broadcast_to(aux, (16,))
        pltpu.sync_copy(auxv, aux_hbm)


def _sc_aux(logits):
    mesh = plsc.VectorSubcoreMesh(
        core_axis_name="c", subcore_axis_name="s", num_cores=1)
    fn = pl.kernel(
        _sc_aux_body,
        out_type=[jax.ShapeDtypeStruct((16,), jnp.float32),
                  jax.ShapeDtypeStruct((SC_TILES, 2, 16), jnp.float32)],
        mesh=mesh,
        scratch_types=[
            pltpu.VMEM((TPT, N_EXPERTS), jnp.float32),
            pltpu.VMEM((2, 16), jnp.float32),
            pltpu.VMEM((SC_TILES, 2, 16), jnp.float32),
            pltpu.VMEM((16,), jnp.float32),
        ],
        compiler_params=pltpu.CompilerParams(needs_layout_passes=False),
    )
    return fn(logits)


@jax.jit
def kernel(x, gate_W, W1, V1, W2):
    Bb, Ll, D = x.shape
    T = Bb * Ll
    xf = x.reshape(T, D)
    out, logits = _tc_experts(xf, gate_W, W1, V1, W2)
    aux_vec, _ = _sc_aux(logits)
    return out.reshape(Bb, Ll, D), aux_vec[0]

# --- scband reference (transcript-rebuilt; emitter-appended) ---
"""Pipeline reference for scband-hierarchical-mo-e-53068615909669 (READ-ONLY COPY).

The authoritative reference and input builder live on the scoring server;
editing this copy changes nothing except your own understanding.
"""

import jax, jax.numpy as jnp
import numpy as np

D_MODEL = 1024
N_EXPERTS = 16
TOPK = 2
D_FF = D_MODEL * 2
LBW = 0.01
B, L = 32, 4


def setup_inputs(seed: int = 0) -> dict:
    key = jax.random.key(seed)
    ks = jax.random.split(key, 5)
    x = jax.random.normal(ks[0], (B, L, D_MODEL), dtype=jnp.float32)
    # gate: nn.Linear(d_model, n_experts, bias=False), weight shape [E, D], std=0.01
    gate_W = jax.random.normal(ks[1], (N_EXPERTS, D_MODEL), dtype=jnp.float32) * 0.01
    # kaiming_normal_ fan_in with relu gain: std = sqrt(2/fan_in)
    std1 = (2.0 / D_MODEL) ** 0.5
    std2 = (2.0 / D_FF) ** 0.5
    W1 = jax.random.normal(ks[2], (N_EXPERTS, D_FF, D_MODEL), dtype=jnp.float32) * std1
    V1 = jax.random.normal(ks[3], (N_EXPERTS, D_FF, D_MODEL), dtype=jnp.float32) * std1
    W2 = jax.random.normal(ks[4], (N_EXPERTS, D_MODEL, D_FF), dtype=jnp.float32) * std2
    return {"x": x, "gate_W": gate_W, "W1": W1, "V1": V1, "W2": W2}


def reference(x, gate_W, W1, V1, W2):
    Bb, Ll, D = x.shape
    T = Bb * Ll
    xf = x.reshape(T, D)
    # topk_gating: softmax over gate logits, top-k selection, per-expert load
    logits = xf @ gate_W.T  # [T, E]
    probs = jax.nn.softmax(logits, axis=-1)
    scores, indices = jax.lax.top_k(probs, TOPK)  # [T, k]
    load = jnp.bincount(indices.reshape(-1), length=N_EXPERTS)
    # load balancing aux loss
    f = load.astype(jnp.float32) / T
    P = probs.mean(axis=0)
    aux_loss = N_EXPERTS * (f * P).sum() * LBW
    # combine weights: sum_k scores[:,k] * onehot(indices[:,k]) -> [T, E]
    oh = jax.nn.one_hot(indices, N_EXPERTS, dtype=xf.dtype)  # [T, k, E]
    combine = (scores[..., None] * oh).sum(axis=1)  # [T, E]
    # swiglu experts: y_e = (silu(x @ W1_e^T) * (x @ V1_e^T)) @ W2_e^T
    h = jnp.einsum('td,efd->tef', xf, W1)
    v = jnp.einsum('td,efd->tef', xf, V1)
    g = jax.nn.silu(h) * v
    y = jnp.einsum('tef,edf->ted', g, W2)  # [T, E, D]
    out = jnp.einsum('te,ted->td', combine, y).reshape(Bb, Ll, D)
    # dropout(p=0.0) is identity
    return (out, aux_loss)

if __name__ == "__main__":
    import jax
    _d = setup_inputs()
    print(jax.jit(kernel)(*tuple(_d.values())))

</pallas_src>

<mosaic_0001>
#map = affine_map<(d0, d1) -> (0, 0)>
#map1 = affine_map<(d0, d1) -> (0)>
#map2 = affine_map<(d0, d1) -> (0, 0, 0)>
module attributes {stable_mosaic.version = 14 : i64} {
  func.func @_sc_aux_body(%arg0: i32, %arg1: i32, %arg2: memref<128x16xf32, #tpu.memory_space<hbm>>, %arg3: memref<16xf32, #tpu.memory_space<hbm>>, %arg4: memref<16x2x16xf32, #tpu.memory_space<hbm>>, %arg5: memref<8x16xf32, #tpu.memory_space<vmem>>, %arg6: memref<2x16xf32, #tpu.memory_space<vmem>>, %arg7: memref<16x2x16xf32, #tpu.memory_space<vmem>>, %arg8: memref<16xf32, #tpu.memory_space<vmem>>) attributes {dimension_semantics = [#tpu.dimension_semantics<core_parallel>, #tpu.dimension_semantics<subcore_parallel>], iteration_bounds = array<i64: 1, 16>, scalar_prefetch = 0 : i64, scratch_operands = 4 : i64, tpu.core_type = #tpu.core_type<sc_vector_subcore>, window_params = [{transform_indices = #map}, {transform_indices = #map1}, {transform_indices = #map2}]} {
    %mul3A = arith.constant 8 : i32
    %mul3A_0 = arith.muli %arg1, %mul3A : i32
    "tpu.region"() ({
      %run_scoped3A = tpu.sem_alloc : memref<!tpu.dma_semaphore, #tpu.memory_space<semaphore_mem>>
      %dma_start3A = arith.constant 0 : i32
      %dma_start3A_634 = tpu.memref_slice %arg2[%mul3A_0, %dma_start3A] : memref<128x16xf32, #tpu.memory_space<hbm>> -> memref<8x16xf32, #tpu.memory_space<hbm>>
      %dma_start3A_635 = arith.constant 0 : i32
      %dma_start3A_636 = tpu.memref_slice %arg2[%mul3A_0, %dma_start3A_635] : memref<128x16xf32, #tpu.memory_space<hbm>> -> memref<8x16xf32, #tpu.memory_space<hbm>>
      tpu.enqueue_dma source(%dma_start3A_636 : memref<8x16xf32, #tpu.memory_space<hbm>>) target(%arg5 : memref<8x16xf32, #tpu.memory_space<vmem>>) target_semaphore(%run_scoped3A : memref<!tpu.dma_semaphore, #tpu.memory_space<semaphore_mem>>)
      %dma_wait3A = arith.constant 0 : i32
      %dma_wait3A_637 = tpu.memref_slice %arg2[%mul3A_0, %dma_wait3A] : memref<128x16xf32, #tpu.memory_space<hbm>> -> memref<8x16xf32, #tpu.memory_space<hbm>>
      %dma_wait3A_638 = arith.constant 0 : i32
      %dma_wait3A_639 = tpu.memref_slice %arg2[%mul3A_0, %dma_wait3A_638] : memref<128x16xf32, #tpu.memory_space<hbm>> -> memref<8x16xf32, #tpu.memory_space<hbm>>
      tpu.wait_dma2 semaphore(%run_scoped3A : memref<!tpu.dma_semaphore, #tpu.memory_space<semaphore_mem>>) src(%dma_wait3A_639 : memref<8x16xf32, #tpu.memory_space<hbm>>) dst(%arg5 : memref<8x16xf32, #tpu.memory_space<vmem>>)
      tpu.yield
    }) : () -> ()
    %iota3A = tpu.iota {dimensions = array<i32: 0>} : vector<16xi32>
    %convert_element_type3A = arith.sitofp %iota3A : vector<16xi32> to vector<16xf32>
    %broadcast_in_dim3A = arith.constant 0.000000e+00 : f32
    %broadcast_in_dim3A_1 = vector.broadcast %broadcast_in_dim3A : f32 to vector<16xf32>
    %broadcast_in_dim3A_2 = arith.constant 0.000000e+00 : f32
    %broadcast_in_dim3A_3 = vector.broadcast %broadcast_in_dim3A_2 : f32 to vector<16xf32>
    %get3A = arith.constant 0 : i32
    %get3A_4 = arith.index_cast %get3A : i32 to index
    %get3A_5 = arith.constant 0 : index
    %get3A_6 = tpu.vector_load %arg5[%get3A_4, %get3A_5] {strides = array<i32>} : memref<8x16xf32, #tpu.memory_space<vmem>>, vector<16xf32>,
    %broadcast_in_dim3A_7 = arith.constant true
    %broadcast_in_dim3A_8 = vector.broadcast %broadcast_in_dim3A_7 : i1 to vector<16xi1>
    %masked_cummax3A = tpu.scan <max>, %get3A_6 masked %broadcast_in_dim3A_8 : vector<16xf32>, vector<16xi1> -> vector<16xf32>
    %slice3A = vector.extract_strided_slice %masked_cummax3A {offsets = [15], sizes = [1], strides = [1]} : vector<16xf32> to vector<1xf32>
    %squeeze3A = vector.extract %slice3A[0] : f32 from vector<1xf32>
    %sub3A = vector.broadcast %squeeze3A : f32 to vector<16xf32>
    %sub3A_9 = arith.subf %get3A_6, %sub3A : vector<16xf32>
    %exp3A = math.exp %sub3A_9 : vector<16xf32>
    %broadcast_in_dim3A_10 = arith.constant true
    %broadcast_in_dim3A_11 = vector.broadcast %broadcast_in_dim3A_10 : i1 to vector<16xi1>
    %masked_cumsum3A = tpu.scan <sum>, %exp3A masked %broadcast_in_dim3A_11 : vector<16xf32>, vector<16xi1> -> vector<16xf32>
    %slice3A_12 = vector.extract_strided_slice %masked_cumsum3A {offsets = [15], sizes = [1], strides = [1]} : vector<16xf32> to vector<1xf32>
    %squeeze3A_13 = vector.extract %slice3A_12[0] : f32 from vector<1xf32>
    %div3A = vector.broadcast %squeeze3A_13 : f32 to vector<16xf32>
    %div3A_14 = arith.divf %exp3A, %div3A : vector<16xf32>
    %broadcast_in_dim3A_15 = arith.constant true
    %broadcast_in_dim3A_16 = vector.broadcast %broadcast_in_dim3A_15 : i1 to vector<16xi1>
    %masked_cummax3A_17 = tpu.scan <max>, %div3A_14 masked %broadcast_in_dim3A_16 : vector<16xf32>, vector<16xi1> -> vector<16xf32>
    %slice3A_18 = vector.extract_strided_slice %masked_cummax3A_17 {offsets = [15], sizes = [1], strides = [1]} : vector<16xf32> to vector<1xf32>
    %squeeze3A_19 = vector.extract %slice3A_18[0] : f32 from vector<1xf32>
    %eq3A = vector.broadcast %squeeze3A_19 : f32 to vector<16xf32>
    %eq3A_20 = arith.cmpf oeq, %div3A_14, %eq3A : vector<16xf32>
    %jit3A = arith.constant 1.600000e+01 : f32
    %broadcast_in_dim3A_21 = vector.broadcast %jit3A : f32 to vector<16xf32>
    %select_n3A = arith.select %eq3A_20, %convert_element_type3A, %broadcast_in_dim3A_21 : vector<16xi1>, vector<16xf32>
    %neg3A = arith.constant 0.000000e+00 : f32
    %neg3A_22 = vector.broadcast %neg3A : f32 to vector<16xf32>
    %neg3A_23 = arith.subf %neg3A_22, %select_n3A : vector<16xf32>
    %broadcast_in_dim3A_24 = arith.constant true
    %broadcast_in_dim3A_25 = vector.broadcast %broadcast_in_dim3A_24 : i1 to vector<16xi1>
    %masked_cummax3A_26 = tpu.scan <max>, %neg3A_23 masked %broadcast_in_dim3A_25 : vector<16xf32>, vector<16xi1> -> vector<16xf32>
    %slice3A_27 = vector.extract_strided_slice %masked_cummax3A_26 {offsets = [15], sizes = [1], strides = [1]} : vector<16xf32> to vector<1xf32>
    %squeeze3A_28 = vector.extract %slice3A_27[0] : f32 from vector<1xf32>
    %neg3A_29 = arith.constant 0.000000e+00 : f32
    %neg3A_30 = arith.subf %neg3A_29, %squeeze3A_28 : f32
    %eq3A_31 = vector.broadcast %neg3A_30 : f32 to vector<16xf32>
    %eq3A_32 = arith.cmpf oeq, %convert_element_type3A, %eq3A_31 : vector<16xf32>
    %jit3A_33 = arith.constant 0xFF800000 : f32
    %broadcast_in_dim3A_34 = vector.broadcast %jit3A_33 : f32 to vector<16xf32>
    %select_n3A_35 = arith.select %eq3A_32, %broadcast_in_dim3A_34, %div3A_14 : vector<16xi1>, vector<16xf32>
    %broadcast_in_dim3A_36 = arith.constant true
    %broadcast_in_dim3A_37 = vector.broadcast %broadcast_in_dim3A_36 : i1 to vector<16xi1>
    %masked_cummax3A_38 = tpu.scan <max>, %select_n3A_35 masked %broadcast_in_dim3A_37 : vector<16xf32>, vector<16xi1> -> vector<16xf32>
    %slice3A_39 = vector.extract_strided_slice %masked_cummax3A_38 {offsets = [15], sizes = [1], strides = [1]} : vector<16xf32> to vector<1xf32>
    %squeeze3A_40 = vector.extract %slice3A_39[0] : f32 from vector<1xf32>
    %eq3A_41 = vector.broadcast %squeeze3A_40 : f32 to vector<16xf32>
    %eq3A_42 = arith.cmpf oeq, %select_n3A_35, %eq3A_41 : vector<16xf32>
    %jit3A_43 = arith.constant 1.600000e+01 : f32
    %broadcast_in_dim3A_44 = vector.broadcast %jit3A_43 : f32 to vector<16xf32>
    %select_n3A_45 = arith.select %eq3A_42, %convert_element_type3A, %broadcast_in_dim3A_44 : vector<16xi1>, vector<16xf32>
    %neg3A_46 = arith.constant 0.000000e+00 : f32
    %neg3A_47 = vector.broadcast %neg3A_46 : f32 to vector<16xf32>
    %neg3A_48 = arith.subf %neg3A_47, %select_n3A_45 : vector<16xf32>
    %broadcast_in_dim3A_49 = arith.constant true
    %broadcast_in_dim3A_50 = vector.broadcast %broadcast_in_dim3A_49 : i1 to vector<16xi1>
    %masked_cummax3A_51 = tpu.scan <max>, %neg3A_48 masked %broadcast_in_dim3A_50 : vector<16xf32>, vector<16xi1> -> vector<16xf32>
    %slice3A_52 = vector.extract_strided_slice %masked_cummax3A_51 {offsets = [15], sizes = [1], strides = [1]} : vector<16xf32> to vector<1xf32>
    %squeeze3A_53 = vector.extract %slice3A_52[0] : f32 from vector<1xf32>
    %neg3A_54 = arith.constant 0.000000e+00 : f32
    %neg3A_55 = arith.subf %neg3A_54, %squeeze3A_53 : f32
    %eq3A_56 = vector.broadcast %neg3A_55 : f32 to vector<16xf32>
    %eq3A_57 = arith.cmpf oeq, %convert_element_type3A, %eq3A_56 : vector<16xf32>
    %jit3A_58 = arith.constant 1.000000e+00 : f32
    %jit3A_59 = arith.constant 0.000000e+00 : f32
    %broadcast_in_dim3A_60 = vector.broadcast %jit3A_58 : f32 to vector<16xf32>
    %broadcast_in_dim3A_61 = vector.broadcast %jit3A_59 : f32 to vector<16xf32>
    %select_n3A_62 = arith.select %eq3A_32, %broadcast_in_dim3A_60, %broadcast_in_dim3A_61 : vector<16xi1>, vector<16xf32>
    %add3A = arith.addf %broadcast_in_dim3A_1, %select_n3A_62 : vector<16xf32>
    %jit3A_63 = arith.constant 1.000000e+00 : f32
    %jit3A_64 = arith.constant 0.000000e+00 : f32
    %broadcast_in_dim3A_65 = vector.broadcast %jit3A_63 : f32 to vector<16xf32>
    %broadcast_in_dim3A_66 = vector.broadcast %jit3A_64 : f32 to vector<16xf32>
    %select_n3A_67 = arith.select %eq3A_57, %broadcast_in_dim3A_65, %broadcast_in_dim3A_66 : vector<16xi1>, vector<16xf32>
    %add3A_68 = arith.addf %add3A, %select_n3A_67 : vector<16xf32>
    %add3A_69 = arith.addf %broadcast_in_dim3A_3, %div3A_14 : vector<16xf32>
    %get3A_70 = arith.constant 1 : i32
    %get3A_71 = arith.index_cast %get3A_70 : i32 to index
    %get3A_72 = arith.constant 0 : index
    %get3A_73 = tpu.vector_load %arg5[%get3A_71, %get3A_72] {strides = array<i32>} : memref<8x16xf32, #tpu.memory_space<vmem>>, vector<16xf32>,
    %broadcast_in_dim3A_74 = arith.constant true
    %broadcast_in_dim3A_75 = vector.broadcast %broadcast_in_dim3A_74 : i1 to vector<16xi1>
    %masked_cummax3A_76 = tpu.scan <max>, %get3A_73 masked %broadcast_in_dim3A_75 : vector<16xf32>, vector<16xi1> -> vector<16xf32>
    %slice3A_77 = vector.extract_strided_slice %masked_cummax3A_76 {offsets = [15], sizes = [1], strides = [1]} : vector<16xf32> to vector<1xf32>
    %squeeze3A_78 = vector.extract %slice3A_77[0] : f32 from vector<1xf32>
    %sub3A_79 = vector.broadcast %squeeze3A_78 : f32 to vector<16xf32>
    %sub3A_80 = arith.subf %get3A_73, %sub3A_79 : vector<16xf32>
    %exp3A_81 = math.exp %sub3A_80 : vector<16xf32>
    %broadcast_in_dim3A_82 = arith.constant true
    %broadcast_in_dim3A_83 = vector.broadcast %broadcast_in_dim3A_82 : i1 to vector<16xi1>
    %masked_cumsum3A_84 = tpu.scan <sum>, %exp3A_81 masked %broadcast_in_dim3A_83 : vector<16xf32>, vector<16xi1> -> vector<16xf32>
    %slice3A_85 = vector.extract_strided_slice %masked_cumsum3A_84 {offsets = [15], sizes = [1], strides = [1]} : vector<16xf32> to vector<1xf32>
    %squeeze3A_86 = vector.extract %slice3A_85[0] : f32 from vector<1xf32>
    %div3A_87 = vector.broadcast %squeeze3A_86 : f32 to vector<16xf32>
    %div3A_88 = arith.divf %exp3A_81, %div3A_87 : vector<16xf32>
    %broadcast_in_dim3A_89 = arith.constant true
    %broadcast_in_dim3A_90 = vector.broadcast %broadcast_in_dim3A_89 : i1 to vector<16xi1>
    %masked_cummax3A_91 = tpu.scan <max>, %div3A_88 masked %broadcast_in_dim3A_90 : vector<16xf32>, vector<16xi1> -> vector<16xf32>
    %slice3A_92 = vector.extract_strided_slice %masked_cummax3A_91 {offsets = [15], sizes = [1], strides = [1]} : vector<16xf32> to vector<1xf32>
    %squeeze3A_93 = vector.extract %slice3A_92[0] : f32 from vector<1xf32>
    %eq3A_94 = vector.broadcast %squeeze3A_93 : f32 to vector<16xf32>
    %eq3A_95 = arith.cmpf oeq, %div3A_88, %eq3A_94 : vector<16xf32>
    %jit3A_96 = arith.constant 1.600000e+01 : f32
    %broadcast_in_dim3A_97 = vector.broadcast %jit3A_96 : f32 to vector<16xf32>
    %select_n3A_98 = arith.select %eq3A_95, %convert_element_type3A, %broadcast_in_dim3A_97 : vector<16xi1>, vector<16xf32>
    %neg3A_99 = arith.constant 0.000000e+00 : f32
    %neg3A_100 = vector.broadcast %neg3A_99 : f32 to vector<16xf32>
    %neg3A_101 = arith.subf %neg3A_100, %select_n3A_98 : vector<16xf32>
    %broadcast_in_dim3A_102 = arith.constant true
    %broadcast_in_dim3A_103 = vector.broadcast %broadcast_in_dim3A_102 : i1 to vector<16xi1>
    %masked_cummax3A_104 = tpu.scan <max>, %neg3A_101 masked %broadcast_in_dim3A_103 : vector<16xf32>, vector<16xi1> -> vector<16xf32>
    %slice3A_105 = vector.extract_strided_slice %masked_cummax3A_104 {offsets = [15], sizes = [1], strides = [1]} : vector<16xf32> to vector<1xf32>
    %squeeze3A_106 = vector.extract %slice3A_105[0] : f32 from vector<1xf32>
    %neg3A_107 = arith.constant 0.000000e+00 : f32
    %neg3A_108 = arith.subf %neg3A_107, %squeeze3A_106 : f32
    %eq3A_109 = vector.broadcast %neg3A_108 : f32 to vector<16xf32>
    %eq3A_110 = arith.cmpf oeq, %convert_element_type3A, %eq3A_109 : vector<16xf32>
    %jit3A_111 = arith.constant 0xFF800000 : f32
    %broadcast_in_dim3A_112 = vector.broadcast %jit3A_111 : f32 to vector<16xf32>
    %select_n3A_113 = arith.select %eq3A_110, %broadcast_in_dim3A_112, %div3A_88 : vector<16xi1>, vector<16xf32>
    %broadcast_in_dim3A_114 = arith.constant true
    %broadcast_in_dim3A_115 = vector.broadcast %broadcast_in_dim3A_114 : i1 to vector<16xi1>
    %masked_cummax3A_116 = tpu.scan <max>, %select_n3A_113 masked %broadcast_in_dim3A_115 : vector<16xf32>, vector<16xi1> -> vector<16xf32>
    %slice3A_117 = vector.extract_strided_slice %masked_cummax3A_116 {offsets = [15], sizes = [1], strides = [1]} : vector<16xf32> to vector<1xf32>
    %squeeze3A_118 = vector.extract %slice3A_117[0] : f32 from vector<1xf32>
    %eq3A_119 = vector.broadcast %squeeze3A_118 : f32 to vector<16xf32>
    %eq3A_120 = arith.cmpf oeq, %select_n3A_113, %eq3A_119 : vector<16xf32>
    %jit3A_121 = arith.constant 1.600000e+01 : f32
    %broadcast_in_dim3A_122 = vector.broadcast %jit3A_121 : f32 to vector<16xf32>
    %select_n3A_123 = arith.select %eq3A_120, %convert_element_type3A, %broadcast_in_dim3A_122 : vector<16xi1>, vector<16xf32>
    %neg3A_124 = arith.constant 0.000000e+00 : f32
    %neg3A_125 = vector.broadcast %neg3A_124 : f32 to vector<16xf32>
    %neg3A_126 = arith.subf %neg3A_125, %select_n3A_123 : vector<16xf32>
    %broadcast_in_dim3A_127 = arith.constant true
    %broadcast_in_dim3A_128 = vector.broadcast %broadcast_in_dim3A_127 : i1 to vector<16xi1>
    %masked_cummax3A_129 = tpu.scan <max>, %neg3A_126 masked %broadcast_in_dim3A_128 : vector<16xf32>, vector<16xi1> -> vector<16xf32>
    %slice3A_130 = vector.extract_strided_slice %masked_cummax3A_129 {offsets = [15], sizes = [1], strides = [1]} : vector<16xf32> to vector<1xf32>
    %squeeze3A_131 = vector.extract %slice3A_130[0] : f32 from vector<1xf32>
    %neg3A_132 = arith.constant 0.000000e+00 : f32
    %neg3A_133 = arith.subf %neg3A_132, %squeeze3A_131 : f32
    %eq3A_134 = vector.broadcast %neg3A_133 : f32 to vector<16xf32>
    %eq3A_135 = arith.cmpf oeq, %convert_element_type3A, %eq3A_134 : vector<16xf32>
    %jit3A_136 = arith.constant 1.000000e+00 : f32
    %jit3A_137 = arith.constant 0.000000e+00 : f32
    %broadcast_in_dim3A_138 = vector.broadcast %jit3A_136 : f32 to vector<16xf32>
    %broadcast_in_dim3A_139 = vector.broadcast %jit3A_137 : f32 to vector<16xf32>
    %select_n3A_140 = arith.select %eq3A_110, %broadcast_in_dim3A_138, %broadcast_in_dim3A_139 : vector<16xi1>, vector<16xf32>
    %add3A_141 = arith.addf %add3A_68, %select_n3A_140 : vector<16xf32>
    %jit3A_142 = arith.constant 1.000000e+00 : f32
    %jit3A_143 = arith.constant 0.000000e+00 : f32
    %broadcast_in_dim3A_144 = vector.broadcast %jit3A_142 : f32 to vector<16xf32>
    %broadcast_in_dim3A_145 = vector.broadcast %jit3A_143 : f32 to vector<16xf32>
    %select_n3A_146 = arith.select %eq3A_135, %broadcast_in_dim3A_144, %broadcast_in_dim3A_145 : vector<16xi1>, vector<16xf32>
    %add3A_147 = arith.addf %add3A_141, %select_n3A_146 : vector<16xf32>
    %add3A_148 = arith.addf %add3A_69, %div3A_88 : vector<16xf32>
    %get3A_149 = arith.constant 2 : i32
    %get3A_150 = arith.index_cast %get3A_149 : i32 to index
    %get3A_151 = arith.constant 0 : index
    %get3A_152 = tpu.vector_load %arg5[%get3A_150, %get3A_151] {strides = array<i32>} : memref<8x16xf32, #tpu.memory_space<vmem>>, vector<16xf32>,
    %broadcast_in_dim3A_153 = arith.constant true
    %broadcast_in_dim3A_154 = vector.broadcast %broadcast_in_dim3A_153 : i1 to vector<16xi1>
    %masked_cummax3A_155 = tpu.scan <max>, %get3A_152 masked %broadcast_in_dim3A_154 : vector<16xf32>, vector<16xi1> -> vector<16xf32>
    %slice3A_156 = vector.extract_strided_slice %masked_cummax3A_155 {offsets = [15], sizes = [1], strides = [1]} : vector<16xf32> to vector<1xf32>
    %squeeze3A_157 = vector.extract %slice3A_156[0] : f32 from vector<1xf32>
    %sub3A_158 = vector.broadcast %squeeze3A_157 : f32 to vector<16xf32>
    %sub3A_159 = arith.subf %get3A_152, %sub3A_158 : vector<16xf32>
    %exp3A_160 = math.exp %sub3A_159 : vector<16xf32>
    %broadcast_in_dim3A_161 = arith.constant true
    %broadcast_in_dim3A_162 = vector.broadcast %broadcast_in_dim3A_161 : i1 to vector<16xi1>
    %masked_cumsum3A_163 = tpu.scan <sum>, %exp3A_160 masked %broadcast_in_dim3A_162 : vector<16xf32>, vector<16xi1> -> vector<16xf32>
    %slice3A_164 = vector.extract_strided_slice %masked_cumsum3A_163 {offsets = [15], sizes = [1], strides = [1]} : vector<16xf32> to vector<1xf32>
    %squeeze3A_165 = vector.extract %slice3A_164[0] : f32 from vector<1xf32>
    %div3A_166 = vector.broadcast %squeeze3A_165 : f32 to vector<16xf32>
    %div3A_167 = arith.divf %exp3A_160, %div3A_166 : vector<16xf32>
    %broadcast_in_dim3A_168 = arith.constant true
    %broadcast_in_dim3A_169 = vector.broadcast %broadcast_in_dim3A_168 : i1 to vector<16xi1>
    %masked_cummax3A_170 = tpu.scan <max>, %div3A_167 masked %broadcast_in_dim3A_169 : vector<16xf32>, vector<16xi1> -> vector<16xf32>
    %slice3A_171 = vector.extract_strided_slice %masked_cummax3A_170 {offsets = [15], sizes = [1], strides = [1]} : vector<16xf32> to vector<1xf32>
    %squeeze3A_172 = vector.extract %slice3A_171[0] : f32 from vector<1xf32>
    %eq3A_173 = vector.broadcast %squeeze3A_172 : f32 to vector<16xf32>
    %eq3A_174 = arith.cmpf oeq, %div3A_167, %eq3A_173 : vector<16xf32>
    %jit3A_175 = arith.constant 1.600000e+01 : f32
    %broadcast_in_dim3A_176 = vector.broadcast %jit3A_175 : f32 to vector<16xf32>
    %select_n3A_177 = arith.select %eq3A_174, %convert_element_type3A, %broadcast_in_dim3A_176 : vector<16xi1>, vector<16xf32>
    %neg3A_178 = arith.constant 0.000000e+00 : f32
    %neg3A_179 = vector.broadcast %neg3A_178 : f32 to vector<16xf32>
    %neg3A_180 = arith.subf %neg3A_179, %select_n3A_177 : vector<16xf32>
    %broadcast_in_dim3A_181 = arith.constant true
    %broadcast_in_dim3A_182 = vector.broadcast %broadcast_in_dim3A_181 : i1 to vector<16xi1>
    %masked_cummax3A_183 = tpu.scan <max>, %neg3A_180 masked %broadcast_in_dim3A_182 : vector<16xf32>, vector<16xi1> -> vector<16xf32>
    %slice3A_184 = vector.extract_strided_slice %masked_cummax3A_183 {offsets = [15], sizes = [1], strides = [1]} : vector<16xf32> to vector<1xf32>
    %squeeze3A_185 = vector.extract %slice3A_184[0] : f32 from vector<1xf32>
    %neg3A_186 = arith.constant 0.000000e+00 : f32
    %neg3A_187 = arith.subf %neg3A_186, %squeeze3A_185 : f32
    %eq3A_188 = vector.broadcast %neg3A_187 : f32 to vector<16xf32>
    %eq3A_189 = arith.cmpf oeq, %convert_element_type3A, %eq3A_188 : vector<16xf32>
    %jit3A_190 = arith.constant 0xFF800000 : f32
    %broadcast_in_dim3A_191 = vector.broadcast %jit3A_190 : f32 to vector<16xf32>
    %select_n3A_192 = arith.select %eq3A_189, %broadcast_in_dim3A_191, %div3A_167 : vector<16xi1>, vector<16xf32>
    %broadcast_in_dim3A_193 = arith.constant true
    %broadcast_in_dim3A_194 = vector.broadcast %broadcast_in_dim3A_193 : i1 to vector<16xi1>
    %masked_cummax3A_195 = tpu.scan <max>, %select_n3A_192 masked %broadcast_in_dim3A_194 : vector<16xf32>, vector<16xi1> -> vector<16xf32>
    %slice3A_196 = vector.extract_strided_slice %masked_cummax3A_195 {offsets = [15], sizes = [1], strides = [1]} : vector<16xf32> to vector<1xf32>
    %squeeze3A_197 = vector.extract %slice3A_196[0] : f32 from vector<1xf32>
    %eq3A_198 = vector.broadcast %squeeze3A_197 : f32 to vector<16xf32>
    %eq3A_199 = arith.cmpf oeq, %select_n3A_192, %eq3A_198 : vector<16xf32>
    %jit3A_200 = arith.constant 1.600000e+01 : f32
    %broadcast_in_dim3A_201 = vector.broadcast %jit3A_200 : f32 to vector<16xf32>
    %select_n3A_202 = arith.select %eq3A_199, %convert_element_type3A, %broadcast_in_dim3A_201 : vector<16xi1>, vector<16xf32>
    %neg3A_203 = arith.constant 0.000000e+00 : f32
    %neg3A_204 = vector.broadcast %neg3A_203 : f32 to vector<16xf32>
    %neg3A_205 = arith.subf %neg3A_204, %select_n3A_202 : vector<16xf32>
    %broadcast_in_dim3A_206 = arith.constant true
    %broadcast_in_dim3A_207 = vector.broadcast %broadcast_in_dim3A_206 : i1 to vector<16xi1>
    %masked_cummax3A_208 = tpu.scan <max>, %neg3A_205 masked %broadcast_in_dim3A_207 : vector<16xf32>, vector<16xi1> -> vector<16xf32>
    %slice3A_209 = vector.extract_strided_slice %masked_cummax3A_208 {offsets = [15], sizes = [1], strides = [1]} : vector<16xf32> to vector<1xf32>
    %squeeze3A_210 = vector.extract %slice3A_209[0] : f32 from vector<1xf32>
    %neg3A_211 = arith.constant 0.000000e+00 : f32
    %neg3A_212 = arith.subf %neg3A_211, %squeeze3A_210 : f32
    %eq3A_213 = vector.broadcast %neg3A_212 : f32 to vector<16xf32>
    %eq3A_214 = arith.cmpf oeq, %convert_element_type3A, %eq3A_213 : vector<16xf32>
    %jit3A_215 = arith.constant 1.000000e+00 : f32
    %jit3A_216 = arith.constant 0.000000e+00 : f32
    %broadcast_in_dim3A_217 = vector.broadcast %jit3A_215 : f32 to vector<16xf32>
    %broadcast_in_dim3A_218 = vector.broadcast %jit3A_216 : f32 to vector<16xf32>
    %select_n3A_219 = arith.select %eq3A_189, %broadcast_in_dim3A_217, %broadcast_in_dim3A_218 : vector<16xi1>, vector<16xf32>
    %add3A_220 = arith.addf %add3A_147, %select_n3A_219 : vector<16xf32>
    %jit3A_221 = arith.constant 1.000000e+00 : f32
    %jit3A_222 = arith.constant 0.000000e+00 : f32
    %broadcast_in_dim3A_223 = vector.broadcast %jit3A_221 : f32 to vector<16xf32>
    %broadcast_in_dim3A_224 = vector.broadcast %jit3A_222 : f32 to vector<16xf32>
    %select_n3A_225 = arith.select %eq3A_214, %broadcast_in_dim3A_223, %broadcast_in_dim3A_224 : vector<16xi1>, vector<16xf32>
    %add3A_226 = arith.addf %add3A_220, %select_n3A_225 : vector<16xf32>
    %add3A_227 = arith.addf %add3A_148, %div3A_167 : vector<16xf32>
    %get3A_228 = arith.constant 3 : i32
    %get3A_229 = arith.index_cast %get3A_228 : i32 to index
    %get3A_230 = arith.constant 0 : index
    %get3A_231 = tpu.vector_load %arg5[%get3A_229, %get3A_230] {strides = array<i32>} : memref<8x16xf32, #tpu.memory_space<vmem>>, vector<16xf32>,
    %broadcast_in_dim3A_232 = arith.constant true
    %broadcast_in_dim3A_233 = vector.broadcast %broadcast_in_dim3A_232 : i1 to vector<16xi1>
    %masked_cummax3A_234 = tpu.scan <max>, %get3A_231 masked %broadcast_in_dim3A_233 : vector<16xf32>, vector<16xi1> -> vector<16xf32>
    %slice3A_235 = vector.extract_strided_slice %masked_cummax3A_234 {offsets = [15], sizes = [1], strides = [1]} : vector<16xf32> to vector<1xf32>
    %squeeze3A_236 = vector.extract %slice3A_235[0] : f32 from vector<1xf32>
    %sub3A_237 = vector.broadcast %squeeze3A_236 : f32 to vector<16xf32>
    %sub3A_238 = arith.subf %get3A_231, %sub3A_237 : vector<16xf32>
    %exp3A_239 = math.exp %sub3A_238 : vector<16xf32>
    %broadcast_in_dim3A_240 = arith.constant true
    %broadcast_in_dim3A_241 = vector.broadcast %broadcast_in_dim3A_240 : i1 to vector<16xi1>
    %masked_cumsum3A_242 = tpu.scan <sum>, %exp3A_239 masked %broadcast_in_dim3A_241 : vector<16xf32>, vector<16xi1> -> vector<16xf32>
    %slice3A_243 = vector.extract_strided_slice %masked_cumsum3A_242 {offsets = [15], sizes = [1], strides = [1]} : vector<16xf32> to vector<1xf32>
    %squeeze3A_244 = vector.extract %slice3A_243[0] : f32 from vector<1xf32>
    %div3A_245 = vector.broadcast %squeeze3A_244 : f32 to vector<16xf32>
    %div3A_246 = arith.divf %exp3A_239, %div3A_245 : vector<16xf32>
    %broadcast_in_dim3A_247 = arith.constant true
    %broadcast_in_dim3A_248 = vector.broadcast %broadcast_in_dim3A_247 : i1 to vector<16xi1>
    %masked_cummax3A_249 = tpu.scan <max>, %div3A_246 masked %broadcast_in_dim3A_248 : vector<16xf32>, vector<16xi1> -> vector<16xf32>
    %slice3A_250 = vector.extract_strided_slice %masked_cummax3A_249 {offsets = [15], sizes = [1], strides = [1]} : vector<16xf32> to vector<1xf32>
    %squeeze3A_251 = vector.extract %slice3A_250[0] : f32 from vector<1xf32>
    %eq3A_252 = vector.broadcast %squeeze3A_251 : f32 to vector<16xf32>
    %eq3A_253 = arith.cmpf oeq, %div3A_246, %eq3A_252 : vector<16xf32>
    %jit3A_254 = arith.constant 1.600000e+01 : f32
    %broadcast_in_dim3A_255 = vector.broadcast %jit3A_254 : f32 to vector<16xf32>
    %select_n3A_256 = arith.select %eq3A_253, %convert_element_type3A, %broadcast_in_dim3A_255 : vector<16xi1>, vector<16xf32>
    %neg3A_257 = arith.constant 0.000000e+00 : f32
    %neg3A_258 = vector.broadcast %neg3A_257 : f32 to vector<16xf32>
    %neg3A_259 = arith.subf %neg3A_258, %select_n3A_256 : vector<16xf32>
    %broadcast_in_dim3A_260 = arith.constant true
    %broadcast_in_dim3A_261 = vector.broadcast %broadcast_in_dim3A_260 : i1 to vector<16xi1>
    %masked_cummax3A_262 = tpu.scan <max>, %neg3A_259 masked %broadcast_in_dim3A_261 : vector<16xf32>, vector<16xi1> -> vector<16xf32>
    %slice3A_263 = vector.extract_strided_slice %masked_cummax3A_262 {offsets = [15], sizes = [1], strides = [1]} : vector<16xf32> to vector<1xf32>
    %squeeze3A_264 = vector.extract %slice3A_263[0] : f32 from vector<1xf32>
    %neg3A_265 = arith.constant 0.000000e+00 : f32
    %neg3A_266 = arith.subf %neg3A_265, %squeeze3A_264 : f32
    %eq3A_267 = vector.broadcast %neg3A_266 : f32 to vector<16xf32>
    %eq3A_268 = arith.cmpf oeq, %convert_element_type3A, %eq3A_267 : vector<16xf32>
    %jit3A_269 = arith.constant 0xFF800000 : f32
    %broadcast_in_dim3A_270 = vector.broadcast %jit3A_269 : f32 to vector<16xf32>
    %select_n3A_271 = arith.select %eq3A_268, %broadcast_in_dim3A_270, %div3A_246 : vector<16xi1>, vector<16xf32>
    %broadcast_in_dim3A_272 = arith.constant true
    %broadcast_in_dim3A_273 = vector.broadcast %broadcast_in_dim3A_272 : i1 to vector<16xi1>
    %masked_cummax3A_274 = tpu.scan <max>, %select_n3A_271 masked %broadcast_in_dim3A_273 : vector<16xf32>, vector<16xi1> -> vector<16xf32>
    %slice3A_275 = vector.extract_strided_slice %masked_cummax3A_274 {offsets = [15], sizes = [1], strides = [1]} : vector<16xf32> to vector<1xf32>
    %squeeze3A_276 = vector.extract %slice3A_275[0] : f32 from vector<1xf32>
    %eq3A_277 = vector.broadcast %squeeze3A_276 : f32 to vector<16xf32>
    %eq3A_278 = arith.cmpf oeq, %select_n3A_271, %eq3A_277 : vector<16xf32>
    %jit3A_279 = arith.constant 1.600000e+01 : f32
    %broadcast_in_dim3A_280 = vector.broadcast %jit3A_279 : f32 to vector<16xf32>
    %select_n3A_281 = arith.select %eq3A_278, %convert_element_type3A, %broadcast_in_dim3A_280 : vector<16xi1>, vector<16xf32>
    %neg3A_282 = arith.constant 0.000000e+00 : f32
    %neg3A_283 = vector.broadcast %neg3A_282 : f32 to vector<16xf32>
    %neg3A_284 = arith.subf %neg3A_283, %select_n3A_281 : vector<16xf32>
    %broadcast_in_dim3A_285 = arith.constant true
    %broadcast_in_dim3A_286 = vector.broadcast %broadcast_in_dim3A_285 : i1 to vector<16xi1>
    %masked_cummax3A_287 = tpu.scan <max>, %neg3A_284 masked %broadcast_in_dim3A_286 : vector<16xf32>, vector<16xi1> -> vector<16xf32>
    %slice3A_288 = vector.extract_strided_slice %masked_cummax3A_287 {offsets = [15], sizes = [1], strides = [1]} : vector<16xf32> to vector<1xf32>
    %squeeze3A_289 = vector.extract %slice3A_288[0] : f32 from vector<1xf32>
    %neg3A_290 = arith.constant 0.000000e+00 : f32
    %neg3A_291 = arith.subf %neg3A_290, %squeeze3A_289 : f32
    %eq3A_292 = vector.broadcast %neg3A_291 : f32 to vector<16xf32>
    %eq3A_293 = arith.cmpf oeq, %convert_element_type3A, %eq3A_292 : vector<16xf32>
    %jit3A_294 = arith.constant 1.000000e+00 : f32
    %jit3A_295 = arith.constant 0.000000e+00 : f32
    %broadcast_in_dim3A_296 = vector.broadcast %jit3A_294 : f32 to vector<16xf32>
    %broadcast_in_dim3A_297 = vector.broadcast %jit3A_295 : f32 to vector<16xf32>
    %select_n3A_298 = arith.select %eq3A_268, %broadcast_in_dim3A_296, %broadcast_in_dim3A_297 : vector<16xi1>, vector<16xf32>
    %add3A_299 = arith.addf %add3A_226, %select_n3A_298 : vector<16xf32>
    %jit3A_300 = arith.constant 1.000000e+00 : f32
    %jit3A_301 = arith.constant 0.000000e+00 : f32
    %broadcast_in_dim3A_302 = vector.broadcast %jit3A_300 : f32 to vector<16xf32>
    %broadcast_in_dim3A_303 = vector.broadcast %jit3A_301 : f32 to vector<16xf32>
    %select_n3A_304 = arith.select %eq3A_293, %broadcast_in_dim3A_302, %broadcast_in_dim3A_303 : vector<16xi1>, vector<16xf32>
    %add3A_305 = arith.addf %add3A_299, %select_n3A_304 : vector<16xf32>
    %add3A_306 = arith.addf %add3A_227, %div3A_246 : vector<16xf32>
    %get3A_307 = arith.constant 4 : i32
    %get3A_308 = arith.index_cast %get3A_307 : i32 to index
    %get3A_309 = arith.constant 0 : index
    %get3A_310 = tpu.vector_load %arg5[%get3A_308, %get3A_309] {strides = array<i32>} : memref<8x16xf32, #tpu.memory_space<vmem>>, vector<16xf32>,
    %broadcast_in_dim3A_311 = arith.constant true
    %broadcast_in_dim3A_312 = vector.broadcast %broadcast_in_dim3A_311 : i1 to vector<16xi1>
    %masked_cummax3A_313 = tpu.scan <max>, %get3A_310 masked %broadcast_in_dim3A_312 : vector<16xf32>, vector<16xi1> -> vector<16xf32>
    %slice3A_314 = vector.extract_strided_slice %masked_cummax3A_313 {offsets = [15], sizes = [1], strides = [1]} : vector<16xf32> to vector<1xf32>
    %squeeze3A_315 = vector.extract %slice3A_314[0] : f32 from vector<1xf32>
    %sub3A_316 = vector.broadcast %squeeze3A_315 : f32 to vector<16xf32>
    %sub3A_317 = arith.subf %get3A_310, %sub3A_316 : vector<16xf32>
    %exp3A_318 = math.exp %sub3A_317 : vector<16xf32>
    %broadcast_in_dim3A_319 = arith.constant true
    %broadcast_in_dim3A_320 = vector.broadcast %broadcast_in_dim3A_319 : i1 to vector<16xi1>
    %masked_cumsum3A_321 = tpu.scan <sum>, %exp3A_318 masked %broadcast_in_dim3A_320 : vector<16xf32>, vector<16xi1> -> vector<16xf32>
    %slice3A_322 = vector.extract_strided_slice %masked_cumsum3A_321 {offsets = [15], sizes = [1], strides = [1]} : vector<16xf32> to vector<1xf32>
    %squeeze3A_323 = vector.extract %slice3A_322[0] : f32 from vector<1xf32>
    %div3A_324 = vector.broadcast %squeeze3A_323 : f32 to vector<16xf32>
    %div3A_325 = arith.divf %exp3A_318, %div3A_324 : vector<16xf32>
    %broadcast_in_dim3A_326 = arith.constant true
    %broadcast_in_dim3A_327 = vector.broadcast %broadcast_in_dim3A_326 : i1 to vector<16xi1>
    %masked_cummax3A_328 = tpu.scan <max>, %div3A_325 masked %broadcast_in_dim3A_327 : vector<16xf32>, vector<16xi1> -> vector<16xf32>
    %slice3A_329 = vector.extract_strided_slice %masked_cummax3A_328 {offsets = [15], sizes = [1], strides = [1]} : vector<16xf32> to vector<1xf32>
    %squeeze3A_330 = vector.extract %slice3A_329[0] : f32 from vector<1xf32>
    %eq3A_331 = vector.broadcast %squeeze3A_330 : f32 to vector<16xf32>
    %eq3A_332 = arith.cmpf oeq, %div3A_325, %eq3A_331 : vector<16xf32>
    %jit3A_333 = arith.constant 1.600000e+01 : f32
    %broadcast_in_dim3A_334 = vector.broadcast %jit3A_333 : f32 to vector<16xf32>
    %select_n3A_335 = arith.select %eq3A_332, %convert_element_type3A, %broadcast_in_dim3A_334 : vector<16xi1>, vector<16xf32>
    %neg3A_336 = arith.constant 0.000000e+00 : f32
    %neg3A_337 = vector.broadcast %neg3A_336 : f32 to vector<16xf32>
    %neg3A_338 = arith.subf %neg3A_337, %select_n3A_335 : vector<16xf32>
    %broadcast_in_dim3A_339 = arith.constant true
    %broadcast_in_dim3A_340 = vector.broadcast %broadcast_in_dim3A_339 : i1 to vector<16xi1>
    %masked_cummax3A_341 = tpu.scan <max>, %neg3A_338 masked %broadcast_in_dim3A_340 : vector<16xf32>, vector<16xi1> -> vector<16xf32>
    %slice3A_342 = vector.extract_strided_slice %masked_cummax3A_341 {offsets = [15], sizes = [1], strides = [1]} : vector<16xf32> to vector<1xf32>
    %squeeze3A_343 = vector.extract %slice3A_342[0] : f32 from vector<1xf32>
    %neg3A_344 = arith.constant 0.000000e+00 : f32
    %neg3A_345 = arith.subf %neg3A_344, %squeeze3A_343 : f32
    %eq3A_346 = vector.broadcast %neg3A_345 : f32 to vector<16xf32>
    %eq3A_347 = arith.cmpf oeq, %convert_element_type3A, %eq3A_346 : vector<16xf32>
    %jit3A_348 = arith.constant 0xFF800000 : f32
    %broadcast_in_dim3A_349 = vector.broadcast %jit3A_348 : f32 to vector<16xf32>
    %select_n3A_350 = arith.select %eq3A_347, %broadcast_in_dim3A_349, %div3A_325 : vector<16xi1>, vector<16xf32>
    %broadcast_in_dim3A_351 = arith.constant true
    %broadcast_in_dim3A_352 = vector.broadcast %broadcast_in_dim3A_351 : i1 to vector<16xi1>
    %masked_cummax3A_353 = tpu.scan <max>, %select_n3A_350 masked %broadcast_in_dim3A_352 : vector<16xf32>, vector<16xi1> -> vector<16xf32>
    %slice3A_354 = vector.extract_strided_slice %masked_cummax3A_353 {offsets = [15], sizes = [1], strides = [1]} : vector<16xf32> to vector<1xf32>
    %squeeze3A_355 = vector.extract %slice3A_354[0] : f32 from vector<1xf32>
    %eq3A_356 = vector.broadcast %squeeze3A_355 : f32 to vector<16xf32>
    %eq3A_357 = arith.cmpf oeq, %select_n3A_350, %eq3A_356 : vector<16xf32>
    %jit3A_358 = arith.constant 1.600000e+01 : f32
    %broadcast_in_dim3A_359 = vector.broadcast %jit3A_358 : f32 to vector<16xf32>
    %select_n3A_360 = arith.select %eq3A_357, %convert_element_type3A, %broadcast_in_dim3A_359 : vector<16xi1>, vector<16xf32>
    %neg3A_361 = arith.constant 0.000000e+00 : f32
    %neg3A_362 = vector.broadcast %neg3A_361 : f32 to vector<16xf32>
    %neg3A_363 = arith.subf %neg3A_362, %select_n3A_360 : vector<16xf32>
    %broadcast_in_dim3A_364 = arith.constant true
    %broadcast_in_dim3A_365 = vector.broadcast %broadcast_in_dim3A_364 : i1 to vector<16xi1>
    %masked_cummax3A_366 = tpu.scan <max>, %neg3A_363 masked %broadcast_in_dim3A_365 : vector<16xf32>, vector<16xi1> -> vector<16xf32>
    %slice3A_367 = vector.extract_strided_slice %masked_cummax3A_366 {offsets = [15], sizes = [1], strides = [1]} : vector<16xf32> to vector<1xf32>
    %squeeze3A_368 = vector.extract %slice3A_367[0] : f32 from vector<1xf32>
    %neg3A_369 = arith.constant 0.000000e+00 : f32
    %neg3A_370 = arith.subf %neg3A_369, %squeeze3A_368 : f32
    %eq3A_371 = vector.broadcast %neg3A_370 : f32 to vector<16xf32>
    %eq3A_372 = arith.cmpf oeq, %convert_element_type3A, %eq3A_371 : vector<16xf32>
    %jit3A_373 = arith.constant 1.000000e+00 : f32
    %jit3A_374 = arith.constant 0.000000e+00 : f32
    %broadcast_in_dim3A_375 = vector.broadcast %jit3A_373 : f32 to vector<16xf32>
    %broadcast_in_dim3A_376 = vector.broadcast %jit3A_374 : f32 to vector<16xf32>
    %select_n3A_377 = arith.select %eq3A_347, %broadcast_in_dim3A_375, %broadcast_in_dim3A_376 : vector<16xi1>, vector<16xf32>
    %add3A_378 = arith.addf %add3A_305, %select_n3A_377 : vector<16xf32>
    %jit3A_379 = arith.constant 1.000000e+00 : f32
    %jit3A_380 = arith.constant 0.000000e+00 : f32
    %broadcast_in_dim3A_381 = vector.broadcast %jit3A_379 : f32 to vector<16xf32>
    %broadcast_in_dim3A_382 = vector.broadcast %jit3A_380 : f32 to vector<16xf32>
    %select_n3A_383 = arith.select %eq3A_372, %broadcast_in_dim3A_381, %broadcast_in_dim3A_382 : vector<16xi1>, vector<16xf32>
    %add3A_384 = arith.addf %add3A_378, %select_n3A_383 : vector<16xf32>
    %add3A_385 = arith.addf %add3A_306, %div3A_325 : vector<16xf32>
    %get3A_386 = arith.constant 5 : i32
    %get3A_387 = arith.index_cast %get3A_386 : i32 to index
    %get3A_388 = arith.constant 0 : index
    %get3A_389 = tpu.vector_load %arg5[%get3A_387, %get3A_388] {strides = array<i32>} : memref<8x16xf32, #tpu.memory_space<vmem>>, vector<16xf32>,
    %broadcast_in_dim3A_390 = arith.constant true
    %broadcast_in_dim3A_391 = vector.broadcast %broadcast_in_dim3A_390 : i1 to vector<16xi1>
    %masked_cummax3A_392 = tpu.scan <max>, %get3A_389 masked %broadcast_in_dim3A_391 : vector<16xf32>, vector<16xi1> -> vector<16xf32>
    %slice3A_393 = vector.extract_strided_slice %masked_cummax3A_392 {offsets = [15], sizes = [1], strides = [1]} : vector<16xf32> to vector<1xf32>
    %squeeze3A_394 = vector.extract %slice3A_393[0] : f32 from vector<1xf32>
    %sub3A_395 = vector.broadcast %squeeze3A_394 : f32 to vector<16xf32>
    %sub3A_396 = arith.subf %get3A_389, %sub3A_395 : vector<16xf32>
    %exp3A_397 = math.exp %sub3A_396 : vector<16xf32>
    %broadcast_in_dim3A_398 = arith.constant true
    %broadcast_in_dim3A_399 = vector.broadcast %broadcast_in_dim3A_398 : i1 to vector<16xi1>
    %masked_cumsum3A_400 = tpu.scan <sum>, %exp3A_397 masked %broadcast_in_dim3A_399 : vector<16xf32>, vector<16xi1> -> vector<16xf32>
    %slice3A_401 = vector.extract_strided_slice %masked_cumsum3A_400 {offsets = [15], sizes = [1], strides = [1]} : vector<16xf32> to vector<1xf32>
    %squeeze3A_402 = vector.extract %slice3A_401[0] : f32 from vector<1xf32>
    %div3A_403 = vector.broadcast %squeeze3A_402 : f32 to vector<16xf32>
    %div3A_404 = arith.divf %exp3A_397, %div3A_403 : vector<16xf32>
    %broadcast_in_dim3A_405 = arith.constant true
    %broadcast_in_dim3A_406 = vector.broadcast %broadcast_in_dim3A_405 : i1 to vector<16xi1>
    %masked_cummax3A_407 = tpu.scan <max>, %div3A_404 masked %broadcast_in_dim3A_406 : vector<16xf32>, vector<16xi1> -> vector<16xf32>
    %slice3A_408 = vector.extract_strided_slice %masked_cummax3A_407 {offsets = [15], sizes = [1], strides = [1]} : vector<16xf32> to vector<1xf32>
    %squeeze3A_409 = vector.extract %slice3A_408[0] : f32 from vector<1xf32>
    %eq3A_410 = vector.broadcast %squeeze3A_409 : f32 to vector<16xf32>
    %eq3A_411 = arith.cmpf oeq, %div3A_404, %eq3A_410 : vector<16xf32>
    %jit3A_412 = arith.constant 1.600000e+01 : f32
    %broadcast_in_dim3A_413 = vector.broadcast %jit3A_412 : f32 to vector<16xf32>
    %select_n3A_414 = arith.select %eq3A_411, %convert_element_type3A, %broadcast_in_dim3A_413 : vector<16xi1>, vector<16xf32>
    %neg3A_415 = arith.constant 0.000000e+00 : f32
    %neg3A_416 = vector.broadcast %neg3A_415 : f32 to vector<16xf32>
    %neg3A_417 = arith.subf %neg3A_416, %select_n3A_414 : vector<16xf32>
    %broadcast_in_dim3A_418 = arith.constant true
    %broadcast_in_dim3A_419 = vector.broadcast %broadcast_in_dim3A_418 : i1 to vector<16xi1>
    %masked_cummax3A_420 = tpu.scan <max>, %neg3A_417 masked %broadcast_in_dim3A_419 : vector<16xf32>, vector<16xi1> -> vector<16xf32>
    %slice3A_421 = vector.extract_strided_slice %masked_cummax3A_420 {offsets = [15], sizes = [1], strides = [1]} : vector<16xf32> to vector<1xf32>
    %squeeze3A_422 = vector.extract %slice3A_421[0] : f32 from vector<1xf32>
    %neg3A_423 = arith.constant 0.000000e+00 : f32
    %neg3A_424 = arith.subf %neg3A_423, %squeeze3A_422 : f32
    %eq3A_425 = vector.broadcast %neg3A_424 : f32 to vector<16xf32>
    %eq3A_426 = arith.cmpf oeq, %convert_element_type3A, %eq3A_425 : vector<16xf32>
    %jit3A_427 = arith.constant 0xFF800000 : f32
    %broadcast_in_dim3A_428 = vector.broadcast %jit3A_427 : f32 to vector<16xf32>
    %select_n3A_429 = arith.select %eq3A_426, %broadcast_in_dim3A_428, %div3A_404 : vector<16xi1>, vector<16xf32>
    %broadcast_in_dim3A_430 = arith.constant true
    %broadcast_in_dim3A_431 = vector.broadcast %broadcast_in_dim3A_430 : i1 to vector<16xi1>
    %masked_cummax3A_432 = tpu.scan <max>, %select_n3A_429 masked %broadcast_in_dim3A_431 : vector<16xf32>, vector<16xi1> -> vector<16xf32>
    %slice3A_433 = vector.extract_strided_slice %masked_cummax3A_432 {offsets = [15], sizes = [1], strides = [1]} : vector<16xf32> to vector<1xf32>
    %squeeze3A_434 = vector.extract %slice3A_433[0] : f32 from vector<1xf32>
    %eq3A_435 = vector.broadcast %squeeze3A_434 : f32 to vector<16xf32>
    %eq3A_436 = arith.cmpf oeq, %select_n3A_429, %eq3A_435 : vector<16xf32>
    %jit3A_437 = arith.constant 1.600000e+01 : f32
    %broadcast_in_dim3A_438 = vector.broadcast %jit3A_437 : f32 to vector<16xf32>
    %select_n3A_439 = arith.select %eq3A_436, %convert_element_type3A, %broadcast_in_dim3A_438 : vector<16xi1>, vector<16xf32>
    %neg3A_440 = arith.constant 0.000000e+00 : f32
    %neg3A_441 = vector.broadcast %neg3A_440 : f32 to vector<16xf32>
    %neg3A_442 = arith.subf %neg3A_441, %select_n3A_439 : vector<16xf32>
    %broadcast_in_dim3A_443 = arith.constant true
    %broadcast_in_dim3A_444 = vector.broadcast %broadcast_in_dim3A_443 : i1 to vector<16xi1>
    %masked_cummax3A_445 = tpu.scan <max>, %neg3A_442 masked %broadcast_in_dim3A_444 : vector<16xf32>, vector<16xi1> -> vector<16xf32>
    %slice3A_446 = vector.extract_strided_slice %masked_cummax3A_445 {offsets = [15], sizes = [1], strides = [1]} : vector<16xf32> to vector<1xf32>
    %squeeze3A_447 = vector.extract %slice3A_446[0] : f32 from vector<1xf32>
    %neg3A_448 = arith.constant 0.000000e+00 : f32
    %neg3A_449 = arith.subf %neg3A_448, %squeeze3A_447 : f32
    %eq3A_450 = vector.broadcast %neg3A_449 : f32 to vector<16xf32>
    %eq3A_451 = arith.cmpf oeq, %convert_element_type3A, %eq3A_450 : vector<16xf32>
    %jit3A_452 = arith.constant 1.000000e+00 : f32
    %jit3A_453 = arith.constant 0.000000e+00 : f32
    %broadcast_in_dim3A_454 = vector.broadcast %jit3A_452 : f32 to vector<16xf32>
    %broadcast_in_dim3A_455 = vector.broadcast %jit3A_453 : f32 to vector<16xf32>
    %select_n3A_456 = arith.select %eq3A_426, %broadcast_in_dim3A_454, %broadcast_in_dim3A_455 : vector<16xi1>, vector<16xf32>
    %add3A_457 = arith.addf %add3A_384, %select_n3A_456 : vector<16xf32>
    %jit3A_458 = arith.constant 1.000000e+00 : f32
    %jit3A_459 = arith.constant 0.000000e+00 : f32
    %broadcast_in_dim3A_460 = vector.broadcast %jit3A_458 : f32 to vector<16xf32>
    %broadcast_in_dim3A_461 = vector.broadcast %jit3A_459 : f32 to vector<16xf32>
    %select_n3A_462 = arith.select %eq3A_451, %broadcast_in_dim3A_460, %broadcast_in_dim3A_461 : vector<16xi1>, vector<16xf32>
    %add3A_463 = arith.addf %add3A_457, %select_n3A_462 : vector<16xf32>
    %add3A_464 = arith.addf %add3A_385, %div3A_404 : vector<16xf32>
    %get3A_465 = arith.constant 6 : i32
    %get3A_466 = arith.index_cast %get3A_465 : i32 to index
    %get3A_467 = arith.constant 0 : index
    %get3A_468 = tpu.vector_load %arg5[%get3A_466, %get3A_467] {strides = array<i32>} : memref<8x16xf32, #tpu.memory_space<vmem>>, vector<16xf32>,
    %broadcast_in_dim3A_469 = arith.constant true
    %broadcast_in_dim3A_470 = vector.broadcast %broadcast_in_dim3A_469 : i1 to vector<16xi1>
    %masked_cummax3A_471 = tpu.scan <max>, %get3A_468 masked %broadcast_in_dim3A_470 : vector<16xf32>, vector<16xi1> -> vector<16xf32>
    %slice3A_472 = vector.extract_strided_slice %masked_cummax3A_471 {offsets = [15], sizes = [1], strides = [1]} : vector<16xf32> to vector<1xf32>
    %squeeze3A_473 = vector.extract %slice3A_472[0] : f32 from vector<1xf32>
    %sub3A_474 = vector.broadcast %squeeze3A_473 : f32 to vector<16xf32>
    %sub3A_475 = arith.subf %get3A_468, %sub3A_474 : vector<16xf32>
    %exp3A_476 = math.exp %sub3A_475 : vector<16xf32>
    %broadcast_in_dim3A_477 = arith.constant true
    %broadcast_in_dim3A_478 = vector.broadcast %broadcast_in_dim3A_477 : i1 to vector<16xi1>
    %masked_cumsum3A_479 = tpu.scan <sum>, %exp3A_476 masked %broadcast_in_dim3A_478 : vector<16xf32>, vector<16xi1> -> vector<16xf32>
    %slice3A_480 = vector.extract_strided_slice %masked_cumsum3A_479 {offsets = [15], sizes = [1], strides = [1]} : vector<16xf32> to vector<1xf32>
    %squeeze3A_481 = vector.extract %slice3A_480[0] : f32 from vector<1xf32>
    %div3A_482 = vector.broadcast %squeeze3A_481 : f32 to vector<16xf32>
    %div3A_483 = arith.divf %exp3A_476, %div3A_482 : vector<16xf32>
    %broadcast_in_dim3A_484 = arith.constant true
    %broadcast_in_dim3A_485 = vector.broadcast %broadcast_in_dim3A_484 : i1 to vector<16xi1>
    %masked_cummax3A_486 = tpu.scan <max>, %div3A_483 masked %broadcast_in_dim3A_485 : vector<16xf32>, vector<16xi1> -> vector<16xf32>
    %slice3A_487 = vector.extract_strided_slice %masked_cummax3A_486 {offsets = [15], sizes = [1], strides = [1]} : vector<16xf32> to vector<1xf32>
    %squeeze3A_488 = vector.extract %slice3A_487[0] : f32 from vector<1xf32>
    %eq3A_489 = vector.broadcast %squeeze3A_488 : f32 to vector<16xf32>
    %eq3A_490 = arith.cmpf oeq, %div3A_483, %eq3A_489 : vector<16xf32>
    %jit3A_491 = arith.constant 1.600000e+01 : f32
    %broadcast_in_dim3A_492 = vector.broadcast %jit3A_491 : f32 to vector<16xf32>
    %select_n3A_493 = arith.select %eq3A_490, %convert_element_type3A, %broadcast_in_dim3A_492 : vector<16xi1>, vector<16xf32>
    %neg3A_494 = arith.constant 0.000000e+00 : f32
    %neg3A_495 = vector.broadcast %neg3A_494 : f32 to vector<16xf32>
    %neg3A_496 = arith.subf %neg3A_495, %select_n3A_493 : vector<16xf32>
    %broadcast_in_dim3A_497 = arith.constant true
    %broadcast_in_dim3A_498 = vector.broadcast %broadcast_in_dim3A_497 : i1 to vector<16xi1>
    %masked_cummax3A_499 = tpu.scan <max>, %neg3A_496 masked %broadcast_in_dim3A_498 : vector<16xf32>, vector<16xi1> -> vector<16xf32>
    %slice3A_500 = vector.extract_strided_slice %masked_cummax3A_499 {offsets = [15], sizes = [1], strides = [1]} : vector<16xf32> to vector<1xf32>
    %squeeze3A_501 = vector.extract %slice3A_500[0] : f32 from vector<1xf32>
    %neg3A_502 = arith.constant 0.000000e+00 : f32
    %neg3A_503 = arith.subf %neg3A_502, %squeeze3A_501 : f32
    %eq3A_504 = vector.broadcast %neg3A_503 : f32 to vector<16xf32>
    %eq3A_505 = arith.cmpf oeq, %convert_element_type3A, %eq3A_504 : vector<16xf32>
    %jit3A_506 = arith.constant 0xFF800000 : f32
    %broadcast_in_dim3A_507 = vector.broadcast %jit3A_506 : f32 to vector<16xf32>
    %select_n3A_508 = arith.select %eq3A_505, %broadcast_in_dim3A_507, %div3A_483 : vector<16xi1>, vector<16xf32>
    %broadcast_in_dim3A_509 = arith.constant true
    %broadcast_in_dim3A_510 = vector.broadcast %broadcast_in_dim3A_509 : i1 to vector<16xi1>
    %masked_cummax3A_511 = tpu.scan <max>, %select_n3A_508 masked %broadcast_in_dim3A_510 : vector<16xf32>, vector<16xi1> -> vector<16xf32>
    %slice3A_512 = vector.extract_strided_slice %masked_cummax3A_511 {offsets = [15], sizes = [1], strides = [1]} : vector<16xf32> to vector<1xf32>
    %squeeze3A_513 = vector.extract %slice3A_512[0] : f32 from vector<1xf32>
    %eq3A_514 = vector.broadcast %squeeze3A_513 : f32 to vector<16xf32>
    %eq3A_515 = arith.cmpf oeq, %select_n3A_508, %eq3A_514 : vector<16xf32>
    %jit3A_516 = arith.constant 1.600000e+01 : f32
    %broadcast_in_dim3A_517 = vector.broadcast %jit3A_516 : f32 to vector<16xf32>
    %select_n3A_518 = arith.select %eq3A_515, %convert_element_type3A, %broadcast_in_dim3A_517 : vector<16xi1>, vector<16xf32>
    %neg3A_519 = arith.constant 0.000000e+00 : f32
    %neg3A_520 = vector.broadcast %neg3A_519 : f32 to vector<16xf32>
    %neg3A_521 = arith.subf %neg3A_520, %select_n3A_518 : vector<16xf32>
    %broadcast_in_dim3A_522 = arith.constant true
    %broadcast_in_dim3A_523 = vector.broadcast %broadcast_in_dim3A_522 : i1 to vector<16xi1>
    %masked_cummax3A_524 = tpu.scan <max>, %neg3A_521 masked %broadcast_in_dim3A_523 : vector<16xf32>, vector<16xi1> -> vector<16xf32>
    %slice3A_525 = vector.extract_strided_slice %masked_cummax3A_524 {offsets = [15], sizes = [1], strides = [1]} : vector<16xf32> to vector<1xf32>
    %squeeze3A_526 = vector.extract %slice3A_525[0] : f32 from vector<1xf32>
    %neg3A_527 = arith.constant 0.000000e+00 : f32
    %neg3A_528 = arith.subf %neg3A_527, %squeeze3A_526 : f32
    %eq3A_529 = vector.broadcast %neg3A_528 : f32 to vector<16xf32>
    %eq3A_530 = arith.cmpf oeq, %convert_element_type3A, %eq3A_529 : vector<16xf32>
    %jit3A_531 = arith.constant 1.000000e+00 : f32
    %jit3A_532 = arith.constant 0.000000e+00 : f32
    %broadcast_in_dim3A_533 = vector.broadcast %jit3A_531 : f32 to vector<16xf32>
    %broadcast_in_dim3A_534 = vector.broadcast %jit3A_532 : f32 to vector<16xf32>
    %select_n3A_535 = arith.select %eq3A_505, %broadcast_in_dim3A_533, %broadcast_in_dim3A_534 : vector<16xi1>, vector<16xf32>
    %add3A_536 = arith.addf %add3A_463, %select_n3A_535 : vector<16xf32>
    %jit3A_537 = arith.constant 1.000000e+00 : f32
    %jit3A_538 = arith.constant 0.000000e+00 : f32
    %broadcast_in_dim3A_539 = vector.broadcast %jit3A_537 : f32 to vector<16xf32>
    %broadcast_in_dim3A_540 = vector.broadcast %jit3A_538 : f32 to vector<16xf32>
    %select_n3A_541 = arith.select %eq3A_530, %broadcast_in_dim3A_539, %broadcast_in_dim3A_540 : vector<16xi1>, vector<16xf32>
    %add3A_542 = arith.addf %add3A_536, %select_n3A_541 : vector<16xf32>
    %add3A_543 = arith.addf %add3A_464, %div3A_483 : vector<16xf32>
    %get3A_544 = arith.constant 7 : i32
    %get3A_545 = arith.index_cast %get3A_544 : i32 to index
    %get3A_546 = arith.constant 0 : index
    %get3A_547 = tpu.vector_load %arg5[%get3A_545, %get3A_546] {strides = array<i32>} : memref<8x16xf32, #tpu.memory_space<vmem>>, vector<16xf32>,
    %broadcast_in_dim3A_548 = arith.constant true
    %broadcast_in_dim3A_549 = vector.broadcast %broadcast_in_dim3A_548 : i1 to vector<16xi1>
    %masked_cummax3A_550 = tpu.scan <max>, %get3A_547 masked %broadcast_in_dim3A_549 : vector<16xf32>, vector<16xi1> -> vector<16xf32>
    %slice3A_551 = vector.extract_strided_slice %masked_cummax3A_550 {offsets = [15], sizes = [1], strides = [1]} : vector<16xf32> to vector<1xf32>
    %squeeze3A_552 = vector.extract %slice3A_551[0] : f32 from vector<1xf32>
    %sub3A_553 = vector.broadcast %squeeze3A_552 : f32 to vector<16xf32>
    %sub3A_554 = arith.subf %get3A_547, %sub3A_553 : vector<16xf32>
    %exp3A_555 = math.exp %sub3A_554 : vector<16xf32>
    %broadcast_in_dim3A_556 = arith.constant true
    %broadcast_in_dim3A_557 = vector.broadcast %broadcast_in_dim3A_556 : i1 to vector<16xi1>
    %masked_cumsum3A_558 = tpu.scan <sum>, %exp3A_555 masked %broadcast_in_dim3A_557 : vector<16xf32>, vector<16xi1> -> vector<16xf32>
    %slice3A_559 = vector.extract_strided_slice %masked_cumsum3A_558 {offsets = [15], sizes = [1], strides = [1]} : vector<16xf32> to vector<1xf32>
    %squeeze3A_560 = vector.extract %slice3A_559[0] : f32 from vector<1xf32>
    %div3A_561 = vector.broadcast %squeeze3A_560 : f32 to vector<16xf32>
    %div3A_562 = arith.divf %exp3A_555, %div3A_561 : vector<16xf32>
    %broadcast_in_dim3A_563 = arith.constant true
    %broadcast_in_dim3A_564 = vector.broadcast %broadcast_in_dim3A_563 : i1 to vector<16xi1>
    %masked_cummax3A_565 = tpu.scan <max>, %div3A_562 masked %broadcast_in_dim3A_564 : vector<16xf32>, vector<16xi1> -> vector<16xf32>
    %slice3A_566 = vector.extract_strided_slice %masked_cummax3A_565 {offsets = [15], sizes = [1], strides = [1]} : vector<16xf32> to vector<1xf32>
    %squeeze3A_567 = vector.extract %slice3A_566[0] : f32 from vector<1xf32>
    %eq3A_568 = vector.broadcast %squeeze3A_567 : f32 to vector<16xf32>
    %eq3A_569 = arith.cmpf oeq, %div3A_562, %eq3A_568 : vector<16xf32>
    %jit3A_570 = arith.constant 1.600000e+01 : f32
    %broadcast_in_dim3A_571 = vector.broadcast %jit3A_570 : f32 to vector<16xf32>
    %select_n3A_572 = arith.select %eq3A_569, %convert_element_type3A, %broadcast_in_dim3A_571 : vector<16xi1>, vector<16xf32>
    %neg3A_573 = arith.constant 0.000000e+00 : f32
    %neg3A_574 = vector.broadcast %neg3A_573 : f32 to vector<16xf32>
    %neg3A_575 = arith.subf %neg3A_574, %select_n3A_572 : vector<16xf32>
    %broadcast_in_dim3A_576 = arith.constant true
    %broadcast_in_dim3A_577 = vector.broadcast %broadcast_in_dim3A_576 : i1 to vector<16xi1>
    %masked_cummax3A_578 = tpu.scan <max>, %neg3A_575 masked %broadcast_in_dim3A_577 : vector<16xf32>, vector<16xi1> -> vector<16xf32>
    %slice3A_579 = vector.extract_strided_slice %masked_cummax3A_578 {offsets = [15], sizes = [1], strides = [1]} : vector<16xf32> to vector<1xf32>
    %squeeze3A_580 = vector.extract %slice3A_579[0] : f32 from vector<1xf32>
    %neg3A_581 = arith.constant 0.000000e+00 : f32
    %neg3A_582 = arith.subf %neg3A_581, %squeeze3A_580 : f32
    %eq3A_583 = vector.broadcast %neg3A_582 : f32 to vector<16xf32>
    %eq3A_584 = arith.cmpf oeq, %convert_element_type3A, %eq3A_583 : vector<16xf32>
    %jit3A_585 = arith.constant 0xFF800000 : f32
    %broadcast_in_dim3A_586 = vector.broadcast %jit3A_585 : f32 to vector<16xf32>
    %select_n3A_587 = arith.select %eq3A_584, %broadcast_in_dim3A_586, %div3A_562 : vector<16xi1>, vector<16xf32>
    %broadcast_in_dim3A_588 = arith.constant true
    %broadcast_in_dim3A_589 = vector.broadcast %broadcast_in_dim3A_588 : i1 to vector<16xi1>
    %masked_cummax3A_590 = tpu.scan <max>, %select_n3A_587 masked %broadcast_in_dim3A_589 : vector<16xf32>, vector<16xi1> -> vector<16xf32>
    %slice3A_591 = vector.extract_strided_slice %masked_cummax3A_590 {offsets = [15], sizes = [1], strides = [1]} : vector<16xf32> to vector<1xf32>
    %squeeze3A_592 = vector.extract %slice3A_591[0] : f32 from vector<1xf32>
    %eq3A_593 = vector.broadcast %squeeze3A_592 : f32 to vector<16xf32>
    %eq3A_594 = arith.cmpf oeq, %select_n3A_587, %eq3A_593 : vector<16xf32>
    %jit3A_595 = arith.constant 1.600000e+01 : f32
    %broadcast_in_dim3A_596 = vector.broadcast %jit3A_595 : f32 to vector<16xf32>
    %select_n3A_597 = arith.select %eq3A_594, %convert_element_type3A, %broadcast_in_dim3A_596 : vector<16xi1>, vector<16xf32>
    %neg3A_598 = arith.constant 0.000000e+00 : f32
    %neg3A_599 = vector.broadcast %neg3A_598 : f32 to vector<16xf32>
    %neg3A_600 = arith.subf %neg3A_599, %select_n3A_597 : vector<16xf32>
    %broadcast_in_dim3A_601 = arith.constant true
    %broadcast_in_dim3A_602 = vector.broadcast %broadcast_in_dim3A_601 : i1 to vector<16xi1>
    %masked_cummax3A_603 = tpu.scan <max>, %neg3A_600 masked %broadcast_in_dim3A_602 : vector<16xf32>, vector<16xi1> -> vector<16xf32>
    %slice3A_604 = vector.extract_strided_slice %masked_cummax3A_603 {offsets = [15], sizes = [1], strides = [1]} : vector<16xf32> to vector<1xf32>
    %squeeze3A_605 = vector.extract %slice3A_604[0] : f32 from vector<1xf32>
    %neg3A_606 = arith.constant 0.000000e+00 : f32
    %neg3A_607 = arith.subf %neg3A_606, %squeeze3A_605 : f32
    %eq3A_608 = vector.broadcast %neg3A_607 : f32 to vector<16xf32>
    %eq3A_609 = arith.cmpf oeq, %convert_element_type3A, %eq3A_608 : vector<16xf32>
    %jit3A_610 = arith.constant 1.000000e+00 : f32
    %jit3A_611 = arith.constant 0.000000e+00 : f32
    %broadcast_in_dim3A_612 = vector.broadcast %jit3A_610 : f32 to vector<16xf32>
    %broadcast_in_dim3A_613 = vector.broadcast %jit3A_611 : f32 to vector<16xf32>
    %select_n3A_614 = arith.select %eq3A_584, %broadcast_in_dim3A_612, %broadcast_in_dim3A_613 : vector<16xi1>, vector<16xf32>
    %add3A_615 = arith.addf %add3A_542, %select_n3A_614 : vector<16xf32>
    %jit3A_616 = arith.constant 1.000000e+00 : f32
    %jit3A_617 = arith.constant 0.000000e+00 : f32
    %broadcast_in_dim3A_618 = vector.broadcast %jit3A_616 : f32 to vector<16xf32>
    %broadcast_in_dim3A_619 = vector.broadcast %jit3A_617 : f32 to vector<16xf32>
    %select_n3A_620 = arith.select %eq3A_609, %broadcast_in_dim3A_618, %broadcast_in_dim3A_619 : vector<16xi1>, vector<16xf32>
    %add3A_621 = arith.addf %add3A_615, %select_n3A_620 : vector<16xf32>
    %add3A_622 = arith.addf %add3A_543, %div3A_562 : vector<16xf32>
    %swap3A = arith.constant 0 : i32
    %swap3A_623 = arith.index_cast %swap3A : i32 to index
    %swap3A_624 = arith.constant 0 : index
    %swap3A_625 = tpu.vector_load %arg6[%swap3A_623, %swap3A_624] {strides = array<i32>} : memref<2x16xf32, #tpu.memory_space<vmem>>, vector<16xf32>,
    tpu.vector_store %arg6[%swap3A_623, %swap3A_624], %add3A_621 {strides = array<i32>} : memref<2x16xf32, #tpu.memory_space<vmem>>, vector<16xf32>,
    %swap3A_626 = arith.constant 1 : i32
    %swap3A_627 = arith.index_cast %swap3A_626 : i32 to index
    %swap3A_628 = arith.constant 0 : index
    %swap3A_629 = tpu.vector_load %arg6[%swap3A_627, %swap3A_628] {strides = array<i32>} : memref<2x16xf32, #tpu.memory_space<vmem>>, vector<16xf32>,
    tpu.vector_store %arg6[%swap3A_627, %swap3A_628], %add3A_622 {strides = array<i32>} : memref<2x16xf32, #tpu.memory_space<vmem>>, vector<16xf32>,
    "tpu.region"() ({
      %run_scoped3A = tpu.sem_alloc : memref<!tpu.dma_semaphore, #tpu.memory_space<semaphore_mem>>
      %dma_start3A = arith.constant 0 : i32
      %dma_start3A_634 = arith.constant 0 : i32
      %dma_start3A_635 = tpu.memref_slice %arg4[%arg1, %dma_start3A, %dma_start3A_634] : memref<16x2x16xf32, #tpu.memory_space<hbm>> -> memref<1x2x16xf32, #tpu.memory_space<hbm>>
      %dma_start3A_636 = tpu.memref_squeeze %dma_start3A_635 : memref<1x2x16xf32, #tpu.memory_space<hbm>> -> memref<2x16xf32, #tpu.memory_space<hbm>>
      %dma_start3A_637 = arith.constant 0 : i32
      %dma_start3A_638 = arith.constant 0 : i32
      %dma_start3A_639 = tpu.memref_slice %arg4[%arg1, %dma_start3A_637, %dma_start3A_638] : memref<16x2x16xf32, #tpu.memory_space<hbm>> -> memref<1x2x16xf32, #tpu.memory_space<hbm>>
      %dma_start3A_640 = tpu.memref_squeeze %dma_start3A_639 : memref<1x2x16xf32, #tpu.memory_space<hbm>> -> memref<2x16xf32, #tpu.memory_space<hbm>>
      tpu.enqueue_dma source(%arg6 : memref<2x16xf32, #tpu.memory_space<vmem>>) target(%dma_start3A_640 : memref<2x16xf32, #tpu.memory_space<hbm>>) target_semaphore(%run_scoped3A : memref<!tpu.dma_semaphore, #tpu.memory_space<semaphore_mem>>)
      %dma_wait3A = arith.constant 0 : i32
      %dma_wait3A_641 = arith.constant 0 : i32
      %dma_wait3A_642 = tpu.memref_slice %arg4[%arg1, %dma_wait3A, %dma_wait3A_641] : memref<16x2x16xf32, #tpu.memory_space<hbm>> -> memref<1x2x16xf32, #tpu.memory_space<hbm>>
      %dma_wait3A_643 = tpu.memref_squeeze %dma_wait3A_642 : memref<1x2x16xf32, #tpu.memory_space<hbm>> -> memref<2x16xf32, #tpu.memory_space<hbm>>
      %dma_wait3A_644 = arith.constant 0 : i32
      %dma_wait3A_645 = arith.constant 0 : i32
      %dma_wait3A_646 = tpu.memref_slice %arg4[%arg1, %dma_wait3A_644, %dma_wait3A_645] : memref<16x2x16xf32, #tpu.memory_space<hbm>> -> memref<1x2x16xf32, #tpu.memory_space<hbm>>
      %dma_wait3A_647 = tpu.memref_squeeze %dma_wait3A_646 : memref<1x2x16xf32, #tpu.memory_space<hbm>> -> memref<2x16xf32, #tpu.memory_space<hbm>>
      tpu.wait_dma2 semaphore(%run_scoped3A : memref<!tpu.dma_semaphore, #tpu.memory_space<semaphore_mem>>) src(%arg6 : memref<2x16xf32, #tpu.memory_space<vmem>>) dst(%dma_wait3A_647 : memref<2x16xf32, #tpu.memory_space<hbm>>)
      tpu.yield
    }) : () -> ()
    %barrier3A = arith.constant 0 : index
    tpu.barrier barrier_id(%barrier3A)
    %eq3A_630 = arith.constant 0 : i32
    %eq3A_631 = arith.cmpi eq, %arg1, %eq3A_630 : i32
    %convert_element_type3A_632 = arith.extui %eq3A_631 : i1 to i32
    %cond3A = arith.constant 0 : i32
    %cond3A_633 = arith.cmpi ne, %convert_element_type3A_632, %cond3A : i32
    scf.if %cond3A_633 {
      "tpu.region"() ({
        %run_scoped3A = tpu.sem_alloc : memref<!tpu.dma_semaphore, #tpu.memory_space<semaphore_mem>>
        tpu.enqueue_dma source(%arg4 : memref<16x2x16xf32, #tpu.memory_space<hbm>>) target(%arg7 : memref<16x2x16xf32, #tpu.memory_space<vmem>>) target_semaphore(%run_scoped3A : memref<!tpu.dma_semaphore, #tpu.memory_space<semaphore_mem>>)
        tpu.wait_dma2 semaphore(%run_scoped3A : memref<!tpu.dma_semaphore, #tpu.memory_space<semaphore_mem>>) src(%arg4 : memref<16x2x16xf32, #tpu.memory_space<hbm>>) dst(%arg7 : memref<16x2x16xf32, #tpu.memory_space<vmem>>)
        tpu.yield
      }) : () -> ()
      %broadcast_in_dim3A_634 = arith.constant 0.000000e+00 : f32
      %broadcast_in_dim3A_635 = vector.broadcast %broadcast_in_dim3A_634 : f32 to vector<16xf32>
      %broadcast_in_dim3A_636 = arith.constant 0.000000e+00 : f32
      %broadcast_in_dim3A_637 = vector.broadcast %broadcast_in_dim3A_636 : f32 to vector<16xf32>
      %get3A_638 = arith.constant 0 : i32
      %get3A_639 = arith.constant 0 : i32
      %get3A_640 = arith.index_cast %get3A_638 : i32 to index
      %get3A_641 = arith.index_cast %get3A_639 : i32 to index
      %get3A_642 = arith.constant 0 : index
      %get3A_643 = tpu.vector_load %arg7[%get3A_640, %get3A_641, %get3A_642] {strides = array<i32>} : memref<16x2x16xf32, #tpu.memory_space<vmem>>, vector<16xf32>,
      %add3A_644 = arith.addf %broadcast_in_dim3A_635, %get3A_643 : vector<16xf32>
      %get3A_645 = arith.constant 0 : i32
      %get3A_646 = arith.constant 1 : i32
      %get3A_647 = arith.index_cast %get3A_645 : i32 to index
      %get3A_648 = arith.index_cast %get3A_646 : i32 to index
      %get3A_649 = arith.constant 0 : index
      %get3A_650 = tpu.vector_load %arg7[%get3A_647, %get3A_648, %get3A_649] {strides = array<i32>} : memref<16x2x16xf32, #tpu.memory_space<vmem>>, vector<16xf32>,
      %add3A_651 = arith.addf %broadcast_in_dim3A_637, %get3A_650 : vector<16xf32>
      %get3A_652 = arith.constant 1 : i32
      %get3A_653 = arith.constant 0 : i32
      %get3A_654 = arith.index_cast %get3A_652 : i32 to index
      %get3A_655 = arith.index_cast %get3A_653 : i32 to index
      %get3A_656 = arith.constant 0 : index
      %get3A_657 = tpu.vector_load %arg7[%get3A_654, %get3A_655, %get3A_656] {strides = array<i32>} : memref<16x2x16xf32, #tpu.memory_space<vmem>>, vector<16xf32>,
      %add3A_658 = arith.addf %add3A_644, %get3A_657 : vector<16xf32>
      %get3A_659 = arith.constant 1 : i32
      %get3A_660 = arith.constant 1 : i32
      %get3A_661 = arith.index_cast %get3A_659 : i32 to index
      %get3A_662 = arith.index_cast %get3A_660 : i32 to index
      %get3A_663 = arith.constant 0 : index
      %get3A_664 = tpu.vector_load %arg7[%get3A_661, %get3A_662, %get3A_663] {strides = array<i32>} : memref<16x2x16xf32, #tpu.memory_space<vmem>>, vector<16xf32>,
      %add3A_665 = arith.addf %add3A_651, %get3A_664 : vector<16xf32>
      %get3A_666 = arith.constant 2 : i32
      %get3A_667 = arith.constant 0 : i32
      %get3A_668 = arith.index_cast %get3A_666 : i32 to index
      %get3A_669 = arith.index_cast %get3A_667 : i32 to index
      %get3A_670 = arith.constant 0 : index
      %get3A_671 = tpu.vector_load %arg7[%get3A_668, %get3A_669, %get3A_670] {strides = array<i32>} : memref<16x2x16xf32, #tpu.memory_space<vmem>>, vector<16xf32>,
      %add3A_672 = arith.addf %add3A_658, %get3A_671 : vector<16xf32>
      %get3A_673 = arith.constant 2 : i32
      %get3A_674 = arith.constant 1 : i32
      %get3A_675 = arith.index_cast %get3A_673 : i32 to index
      %get3A_676 = arith.index_cast %get3A_674 : i32 to index
      %get3A_677 = arith.constant 0 : index
      %get3A_678 = tpu.vector_load %arg7[%get3A_675, %get3A_676, %get3A_677] {strides = array<i32>} : memref<16x2x16xf32, #tpu.memory_space<vmem>>, vector<16xf32>,
      %add3A_679 = arith.addf %add3A_665, %get3A_678 : vector<16xf32>
      %get3A_680 = arith.constant 3 : i32
      %get3A_681 = arith.constant 0 : i32
      %get3A_682 = arith.index_cast %get3A_680 : i32 to index
      %get3A_683 = arith.index_cast %get3A_681 : i32 to index
      %get3A_684 = arith.constant 0 : index
      %get3A_685 = tpu.vector_load %arg7[%get3A_682, %get3A_683, %get3A_684] {strides = array<i32>} : memref<16x2x16xf32, #tpu.memory_space<vmem>>, vector<16xf32>,
      %add3A_686 = arith.addf %add3A_672, %get3A_685 : vector<16xf32>
      %get3A_687 = arith.constant 3 : i32
      %get3A_688 = arith.constant 1 : i32
      %get3A_689 = arith.index_cast %get3A_687 : i32 to index
      %get3A_690 = arith.index_cast %get3A_688 : i32 to index
      %get3A_691 = arith.constant 0 : index
      %get3A_692 = tpu.vector_load %arg7[%get3A_689, %get3A_690, %get3A_691] {strides = array<i32>} : memref<16x2x16xf32, #tpu.memory_space<vmem>>, vector<16xf32>,
      %add3A_693 = arith.addf %add3A_679, %get3A_692 : vector<16xf32>
      %get3A_694 = arith.constant 4 : i32
      %get3A_695 = arith.constant 0 : i32
      %get3A_696 = arith.index_cast %get3A_694 : i32 to index
      %get3A_697 = arith.index_cast %get3A_695 : i32 to index
      %get3A_698 = arith.constant 0 : index
      %get3A_699 = tpu.vector_load %arg7[%get3A_696, %get3A_697, %get3A_698] {strides = array<i32>} : memref<16x2x16xf32, #tpu.memory_space<vmem>>, vector<16xf32>,
      %add3A_700 = arith.addf %add3A_686, %get3A_699 : vector<16xf32>
      %get3A_701 = arith.constant 4 : i32
      %get3A_702 = arith.constant 1 : i32
      %get3A_703 = arith.index_cast %get3A_701 : i32 to index
      %get3A_704 = arith.index_cast %get3A_702 : i32 to index
      %get3A_705 = arith.constant 0 : index
      %get3A_706 = tpu.vector_load %arg7[%get3A_703, %get3A_704, %get3A_705] {strides = array<i32>} : memref<16x2x16xf32, #tpu.memory_space<vmem>>, vector<16xf32>,
      %add3A_707 = arith.addf %add3A_693, %get3A_706 : vector<16xf32>
      %get3A_708 = arith.constant 5 : i32
      %get3A_709 = arith.constant 0 : i32
      %get3A_710 = arith.index_cast %get3A_708 : i32 to index
      %get3A_711 = arith.index_cast %get3A_709 : i32 to index
      %get3A_712 = arith.constant 0 : index
      %get3A_713 = tpu.vector_load %arg7[%get3A_710, %get3A_711, %get3A_712] {strides = array<i32>} : memref<16x2x16xf32, #tpu.memory_space<vmem>>, vector<16xf32>,
      %add3A_714 = arith.addf %add3A_700, %get3A_713 : vector<16xf32>
      %get3A_715 = arith.constant 5 : i32
      %get3A_716 = arith.constant 1 : i32
      %get3A_717 = arith.index_cast %get3A_715 : i32 to index
      %get3A_718 = arith.index_cast %get3A_716 : i32 to index
      %get3A_719 = arith.constant 0 : index
      %get3A_720 = tpu.vector_load %arg7[%get3A_717, %get3A_718, %get3A_719] {strides = array<i32>} : memref<16x2x16xf32, #tpu.memory_space<vmem>>, vector<16xf32>,
      %add3A_721 = arith.addf %add3A_707, %get3A_720 : vector<16xf32>
      %get3A_722 = arith.constant 6 : i32
      %get3A_723 = arith.constant 0 : i32
      %get3A_724 = arith.index_cast %get3A_722 : i32 to index
      %get3A_725 = arith.index_cast %get3A_723 : i32 to index
      %get3A_726 = arith.constant 0 : index
      %get3A_727 = tpu.vector_load %arg7[%get3A_724, %get3A_725, %get3A_726] {strides = array<i32>} : memref<16x2x16xf32, #tpu.memory_space<vmem>>, vector<16xf32>,
      %add3A_728 = arith.addf %add3A_714, %get3A_727 : vector<16xf32>
      %get3A_729 = arith.constant 6 : i32
      %get3A_730 = arith.constant 1 : i32
      %get3A_731 = arith.index_cast %get3A_729 : i32 to index
      %get3A_732 = arith.index_cast %get3A_730 : i32 to index
      %get3A_733 = arith.constant 0 : index
      %get3A_734 = tpu.vector_load %arg7[%get3A_731, %get3A_732, %get3A_733] {strides = array<i32>} : memref<16x2x16xf32, #tpu.memory_space<vmem>>, vector<16xf32>,
      %add3A_735 = arith.addf %add3A_721, %get3A_734 : vector<16xf32>
      %get3A_736 = arith.constant 7 : i32
      %get3A_737 = arith.constant 0 : i32
      %get3A_738 = arith.index_cast %get3A_736 : i32 to index
      %get3A_739 = arith.index_cast %get3A_737 : i32 to index
      %get3A_740 = arith.constant 0 : index
      %get3A_741 = tpu.vector_load %arg7[%get3A_738, %get3A_739, %get3A_740] {strides = array<i32>} : memref<16x2x16xf32, #tpu.memory_space<vmem>>, vector<16xf32>,
      %add3A_742 = arith.addf %add3A_728, %get3A_741 : vector<16xf32>
      %get3A_743 = arith.constant 7 : i32
      %get3A_744 = arith.constant 1 : i32
      %get3A_745 = arith.index_cast %get3A_743 : i32 to index
      %get3A_746 = arith.index_cast %get3A_744 : i32 to index
      %get3A_747 = arith.constant 0 : index
      %get3A_748 = tpu.vector_load %arg7[%get3A_745, %get3A_746, %get3A_747] {strides = array<i32>} : memref<16x2x16xf32, #tpu.memory_space<vmem>>, vector<16xf32>,
      %add3A_749 = arith.addf %add3A_735, %get3A_748 : vector<16xf32>
      %get3A_750 = arith.constant 8 : i32
      %get3A_751 = arith.constant 0 : i32
      %get3A_752 = arith.index_cast %get3A_750 : i32 to index
      %get3A_753 = arith.index_cast %get3A_751 : i32 to index
      %get3A_754 = arith.constant 0 : index
      %get3A_755 = tpu.vector_load %arg7[%get3A_752, %get3A_753, %get3A_754] {strides = array<i32>} : memref<16x2x16xf32, #tpu.memory_space<vmem>>, vector<16xf32>,
      %add3A_756 = arith.addf %add3A_742, %get3A_755 : vector<16xf32>
      %get3A_757 = arith.constant 8 : i32
      %get3A_758 = arith.constant 1 : i32
      %get3A_759 = arith.index_cast %get3A_757 : i32 to index
      %get3A_760 = arith.index_cast %get3A_758 : i32 to index
      %get3A_761 = arith.constant 0 : index
      %get3A_762 = tpu.vector_load %arg7[%get3A_759, %get3A_760, %get3A_761] {strides = array<i32>} : memref<16x2x16xf32, #tpu.memory_space<vmem>>, vector<16xf32>,
      %add3A_763 = arith.addf %add3A_749, %get3A_762 : vector<16xf32>
      %get3A_764 = arith.constant 9 : i32
      %get3A_765 = arith.constant 0 : i32
      %get3A_766 = arith.index_cast %get3A_764 : i32 to index
      %get3A_767 = arith.index_cast %get3A_765 : i32 to index
      %get3A_768 = arith.constant 0 : index
      %get3A_769 = tpu.vector_load %arg7[%get3A_766, %get3A_767, %get3A_768] {strides = array<i32>} : memref<16x2x16xf32, #tpu.memory_space<vmem>>, vector<16xf32>,
      %add3A_770 = arith.addf %add3A_756, %get3A_769 : vector<16xf32>
      %get3A_771 = arith.constant 9 : i32
      %get3A_772 = arith.constant 1 : i32
      %get3A_773 = arith.index_cast %get3A_771 : i32 to index
      %get3A_774 = arith.index_cast %get3A_772 : i32 to index
      %get3A_775 = arith.constant 0 : index
      %get3A_776 = tpu.vector_load %arg7[%get3A_773, %get3A_774, %get3A_775] {strides = array<i32>} : memref<16x2x16xf32, #tpu.memory_space<vmem>>, vector<16xf32>,
      %add3A_777 = arith.addf %add3A_763, %get3A_776 : vector<16xf32>
      %get3A_778 = arith.constant 10 : i32
      %get3A_779 = arith.constant 0 : i32
      %get3A_780 = arith.index_cast %get3A_778 : i32 to index
      %get3A_781 = arith.index_cast %get3A_779 : i32 to index
      %get3A_782 = arith.constant 0 : index
      %get3A_783 = tpu.vector_load %arg7[%get3A_780, %get3A_781, %get3A_782] {strides = array<i32>} : memref<16x2x16xf32, #tpu.memory_space<vmem>>, vector<16xf32>,
      %add3A_784 = arith.addf %add3A_770, %get3A_783 : vector<16xf32>
      %get3A_785 = arith.constant 10 : i32
      %get3A_786 = arith.constant 1 : i32
      %get3A_787 = arith.index_cast %get3A_785 : i32 to index
      %get3A_788 = arith.index_cast %get3A_786 : i32 to index
      %get3A_789 = arith.constant 0 : index
      %get3A_790 = tpu.vector_load %arg7[%get3A_787, %get3A_788, %get3A_789] {strides = array<i32>} : memref<16x2x16xf32, #tpu.memory_space<vmem>>, vector<16xf32>,
      %add3A_791 = arith.addf %add3A_777, %get3A_790 : vector<16xf32>
      %get3A_792 = arith.constant 11 : i32
      %get3A_793 = arith.constant 0 : i32
      %get3A_794 = arith.index_cast %get3A_792 : i32 to index
      %get3A_795 = arith.index_cast %get3A_793 : i32 to index
      %get3A_796 = arith.constant 0 : index
      %get3A_797 = tpu.vector_load %arg7[%get3A_794, %get3A_795, %get3A_796] {strides = array<i32>} : memref<16x2x16xf32, #tpu.memory_space<vmem>>, vector<16xf32>,
      %add3A_798 = arith.addf %add3A_784, %get3A_797 : vector<16xf32>
      %get3A_799 = arith.constant 11 : i32
      %get3A_800 = arith.constant 1 : i32
      %get3A_801 = arith.index_cast %get3A_799 : i32 to index
      %get3A_802 = arith.index_cast %get3A_800 : i32 to index
      %get3A_803 = arith.constant 0 : index
      %get3A_804 = tpu.vector_load %arg7[%get3A_801, %get3A_802, %get3A_803] {strides = array<i32>} : memref<16x2x16xf32, #tpu.memory_space<vmem>>, vector<16xf32>,
      %add3A_805 = arith.addf %add3A_791, %get3A_804 : vector<16xf32>
      %get3A_806 = arith.constant 12 : i32
      %get3A_807 = arith.constant 0 : i32
      %get3A_808 = arith.index_cast %get3A_806 : i32 to index
      %get3A_809 = arith.index_cast %get3A_807 : i32 to index
      %get3A_810 = arith.constant 0 : index
      %get3A_811 = tpu.vector_load %arg7[%get3A_808, %get3A_809, %get3A_810] {strides = array<i32>} : memref<16x2x16xf32, #tpu.memory_space<vmem>>, vector<16xf32>,
      %add3A_812 = arith.addf %add3A_798, %get3A_811 : vector<16xf32>
      %get3A_813 = arith.constant 12 : i32
      %get3A_814 = arith.constant 1 : i32
      %get3A_815 = arith.index_cast %get3A_813 : i32 to index
      %get3A_816 = arith.index_cast %get3A_814 : i32 to index
      %get3A_817 = arith.constant 0 : index
      %get3A_818 = tpu.vector_load %arg7[%get3A_815, %get3A_816, %get3A_817] {strides = array<i32>} : memref<16x2x16xf32, #tpu.memory_space<vmem>>, vector<16xf32>,
      %add3A_819 = arith.addf %add3A_805, %get3A_818 : vector<16xf32>
      %get3A_820 = arith.constant 13 : i32
      %get3A_821 = arith.constant 0 : i32
      %get3A_822 = arith.index_cast %get3A_820 : i32 to index
      %get3A_823 = arith.index_cast %get3A_821 : i32 to index
      %get3A_824 = arith.constant 0 : index
      %get3A_825 = tpu.vector_load %arg7[%get3A_822, %get3A_823, %get3A_824] {strides = array<i32>} : memref<16x2x16xf32, #tpu.memory_space<vmem>>, vector<16xf32>,
      %add3A_826 = arith.addf %add3A_812, %get3A_825 : vector<16xf32>
      %get3A_827 = arith.constant 13 : i32
      %get3A_828 = arith.constant 1 : i32
      %get3A_829 = arith.index_cast %get3A_827 : i32 to index
      %get3A_830 = arith.index_cast %get3A_828 : i32 to index
      %get3A_831 = arith.constant 0 : index
      %get3A_832 = tpu.vector_load %arg7[%get3A_829, %get3A_830, %get3A_831] {strides = array<i32>} : memref<16x2x16xf32, #tpu.memory_space<vmem>>, vector<16xf32>,
      %add3A_833 = arith.addf %add3A_819, %get3A_832 : vector<16xf32>
      %get3A_834 = arith.constant 14 : i32
      %get3A_835 = arith.constant 0 : i32
      %get3A_836 = arith.index_cast %get3A_834 : i32 to index
      %get3A_837 = arith.index_cast %get3A_835 : i32 to index
      %get3A_838 = arith.constant 0 : index
      %get3A_839 = tpu.vector_load %arg7[%get3A_836, %get3A_837, %get3A_838] {strides = array<i32>} : memref<16x2x16xf32, #tpu.memory_space<vmem>>, vector<16xf32>,
      %add3A_840 = arith.addf %add3A_826, %get3A_839 : vector<16xf32>
      %get3A_841 = arith.constant 14 : i32
      %get3A_842 = arith.constant 1 : i32
      %get3A_843 = arith.index_cast %get3A_841 : i32 to index
      %get3A_844 = arith.index_cast %get3A_842 : i32 to index
      %get3A_845 = arith.constant 0 : index
      %get3A_846 = tpu.vector_load %arg7[%get3A_843, %get3A_844, %get3A_845] {strides = array<i32>} : memref<16x2x16xf32, #tpu.memory_space<vmem>>, vector<16xf32>,
      %add3A_847 = arith.addf %add3A_833, %get3A_846 : vector<16xf32>
      %get3A_848 = arith.constant 15 : i32
      %get3A_849 = arith.constant 0 : i32
      %get3A_850 = arith.index_cast %get3A_848 : i32 to index
      %get3A_851 = arith.index_cast %get3A_849 : i32 to index
      %get3A_852 = arith.constant 0 : index
      %get3A_853 = tpu.vector_load %arg7[%get3A_850, %get3A_851, %get3A_852] {strides = array<i32>} : memref<16x2x16xf32, #tpu.memory_space<vmem>>, vector<16xf32>,
      %add3A_854 = arith.addf %add3A_840, %get3A_853 : vector<16xf32>
      %get3A_855 = arith.constant 15 : i32
      %get3A_856 = arith.constant 1 : i32
      %get3A_857 = arith.index_cast %get3A_855 : i32 to index
      %get3A_858 = arith.index_cast %get3A_856 : i32 to index
      %get3A_859 = arith.constant 0 : index
      %get3A_860 = tpu.vector_load %arg7[%get3A_857, %get3A_858, %get3A_859] {strides = array<i32>} : memref<16x2x16xf32, #tpu.memory_space<vmem>>, vector<16xf32>,
      %add3A_861 = arith.addf %add3A_847, %get3A_860 : vector<16xf32>
      %mul3A_862 = arith.mulf %add3A_854, %add3A_861 : vector<16xf32>
      %broadcast_in_dim3A_863 = arith.constant true
      %broadcast_in_dim3A_864 = vector.broadcast %broadcast_in_dim3A_863 : i1 to vector<16xi1>
      %masked_cumsum3A_865 = tpu.scan <sum>, %mul3A_862 masked %broadcast_in_dim3A_864 : vector<16xf32>, vector<16xi1> -> vector<16xf32>
      %slice3A_866 = vector.extract_strided_slice %masked_cumsum3A_865 {offsets = [15], sizes = [1], strides = [1]} : vector<16xf32> to vector<1xf32>
      %squeeze3A_867 = vector.extract %slice3A_866[0] : f32 from vector<1xf32>
      %mul3A_868 = arith.constant 9.76562478E-6 : f32
      %mul3A_869 = arith.mulf %squeeze3A_867, %mul3A_868 : f32
      %broadcast_in_dim3A_870 = vector.broadcast %mul3A_869 : f32 to vector<16xf32>
      %swap3A_871 = arith.constant 0 : index
      %swap3A_872 = tpu.vector_load %arg8[%swap3A_871] {strides = array<i32>} : memref<16xf32, #tpu.memory_space<vmem>>, vector<16xf32>,
      tpu.vector_store %arg8[%swap3A_871], %broadcast_in_dim3A_870 {strides = array<i32>} : memref<16xf32, #tpu.memory_space<vmem>>, vector<16xf32>,
      "tpu.region"() ({
        %run_scoped3A = tpu.sem_alloc : memref<!tpu.dma_semaphore, #tpu.memory_space<semaphore_mem>>
        tpu.enqueue_dma source(%arg8 : memref<16xf32, #tpu.memory_space<vmem>>) target(%arg3 : memref<16xf32, #tpu.memory_space<hbm>>) target_semaphore(%run_scoped3A : memref<!tpu.dma_semaphore, #tpu.memory_space<semaphore_mem>>)
        tpu.wait_dma2 semaphore(%run_scoped3A : memref<!tpu.dma_semaphore, #tpu.memory_space<semaphore_mem>>) src(%arg8 : memref<16xf32, #tpu.memory_space<vmem>>) dst(%arg3 : memref<16xf32, #tpu.memory_space<hbm>>)
        tpu.yield
      }) : () -> ()
    } else {
    }
    return
  }
}

module attributes {stable_mosaic.version = 14 : i64} {
  func.func @_moe_kernel(%arg0: i32, %arg1: i32, %arg2: memref<128x1024xf32, #tpu.memory_space<vmem>>, %arg3: memref<16x1024xf32, #tpu.memory_space<vmem>>, %arg4: memref<1x1024x1024xf32, #tpu.memory_space<vmem>>, %arg5: memref<1x1024x1024xf32, #tpu.memory_space<vmem>>, %arg6: memref<1x1024x1024xf32, #tpu.memory_space<vmem>>, %arg7: memref<128x1024xf32, #tpu.memory_space<vmem>>, %arg8: memref<128x16xf32, #tpu.memory_space<vmem>>, %arg9: memref<128x16xf32, #tpu.memory_space<vmem>>) attributes {dimension_semantics = [#tpu.dimension_semantics<arbitrary>, #tpu.dimension_semantics<arbitrary>], iteration_bounds = array<i64: 16, 2>, scalar_prefetch = 0 : i64, scratch_operands = 1 : i64, tpu.core_type = #tpu.core_type<tc>, window_params = [{pipeline_mode = #tpu.pipeline_mode<synchronous>, transform_indices = @transform_0, window_bounds = array<i64: 128, 1024>}, {pipeline_mode = #tpu.pipeline_mode<synchronous>, transform_indices = @transform_1, window_bounds = array<i64: 16, 1024>}, {transform_indices = @transform_2, window_bounds = array<i64: 1, 1024, 1024>}, {transform_indices = @transform_3, window_bounds = array<i64: 1, 1024, 1024>}, {transform_indices = @transform_4, window_bounds = array<i64: 1, 1024, 1024>}, {pipeline_mode = #tpu.pipeline_mode<synchronous>, transform_indices = @transform_5, window_bounds = array<i64: 128, 1024>}, {pipeline_mode = #tpu.pipeline_mode<synchronous>, transform_indices = @transform_6, window_bounds = array<i64: 128, 16>}]} {
    %eq3A = arith.constant 0 : i32
    %eq3A_0 = arith.cmpi eq, %arg0, %eq3A : i32
    %eq3A_1 = arith.constant 0 : i32
    %eq3A_2 = arith.cmpi eq, %arg1, %eq3A_1 : i32
    %and3A = arith.andi %eq3A_0, %eq3A_2 : i1
    %convert_element_type3A = arith.extui %and3A : i1 to i32
    %cond3A = arith.constant 0 : i32
    %cond3A_3 = arith.cmpi ne, %convert_element_type3A, %cond3A : i32
    scf.if %cond3A_3 {
      %get3A_48 = arith.constant 0 : index
      %get3A_49 = arith.constant 0 : index
      %get3A_50 = vector.load %arg2[%get3A_48, %get3A_49] : memref<128x1024xf32, #tpu.memory_space<vmem>>, vector<128x1024xf32>
      %get3A_51 = arith.constant 0 : index
      %get3A_52 = arith.constant 0 : index
      %get3A_53 = vector.load %arg3[%get3A_51, %get3A_52] : memref<16x1024xf32, #tpu.memory_space<vmem>>, vector<16x1024xf32>
      %dot_general3A_54 = arith.constant dense<0.000000e+00> : vector<128x16xf32>
      %dot_general3A_55 = tpu.matmul %get3A_50, %get3A_53, %dot_general3A_54 {dimension_numbers = #tpu.dot_dimension_numbers<[1], [1], [0], [0], [0, 0, 1, 0], [], []>, transpose_lhs_hint = false} : vector<128x1024xf32>, vector<16x1024xf32>, vector<128x16xf32> -> vector<128x16xf32>
      %swap3A = arith.constant 0 : index
      %swap3A_56 = arith.constant 0 : index
      %swap3A_57 = vector.load %arg8[%swap3A, %swap3A_56] : memref<128x16xf32, #tpu.memory_space<vmem>>, vector<128x16xf32>
      tpu.vector_store %arg8[%swap3A, %swap3A_56], %dot_general3A_55 {strides = array<i32>} : memref<128x16xf32, #tpu.memory_space<vmem>>, vector<128x16xf32>,
      %reduce_max3A = arith.constant dense<0xFF800000> : vector<128xf32>
      %reduce_max3A_58 = vector.multi_reduction <maximumf>, %dot_general3A_55, %reduce_max3A [1] : vector<128x16xf32> to vector<128xf32>
      %broadcast_in_dim3A_59 = vector.shape_cast %reduce_max3A_58 : vector<128xf32> to vector<128x1xf32>
      %sub3A = vector.broadcast %broadcast_in_dim3A_59 : vector<128x1xf32> to vector<128x16xf32>
      %sub3A_60 = arith.subf %dot_general3A_55, %sub3A : vector<128x16xf32>
      %exp3A = math.exp %sub3A_60 : vector<128x16xf32>
      %reduce_sum3A_61 = arith.constant dense<0.000000e+00> : vector<128xf32>
      %reduce_sum3A_62 = vector.multi_reduction <add>, %exp3A, %reduce_sum3A_61 [1] : vector<128x16xf32> to vector<128xf32>
      %broadcast_in_dim3A_63 = vector.shape_cast %reduce_sum3A_62 : vector<128xf32> to vector<128x1xf32>
      %div3A = vector.broadcast %broadcast_in_dim3A_63 : vector<128x1xf32> to vector<128x16xf32>
      %div3A_64 = arith.divf %exp3A, %div3A : vector<128x16xf32>
      %iota3A_65 = tpu.iota {dimensions = array<i32: 1>} : vector<128x16xi32>
      %reduce_max3A_66 = arith.constant dense<0xFF800000> : vector<128xf32>
      %reduce_max3A_67 = vector.multi_reduction <maximumf>, %div3A_64, %reduce_max3A_66 [1] : vector<128x16xf32> to vector<128xf32>
      %broadcast_in_dim3A_68 = vector.shape_cast %reduce_max3A_67 : vector<128xf32> to vector<128x1xf32>
      %eq3A_69 = vector.broadcast %broadcast_in_dim3A_68 : vector<128x1xf32> to vector<128x16xf32>
      %eq3A_70 = arith.cmpf oeq, %div3A_64, %eq3A_69 : vector<128x16xf32>
      %jit3A_71 = arith.constant 16 : i32
      %broadcast_in_dim3A_72 = vector.broadcast %jit3A_71 : i32 to vector<128x16xi32>
      %select_n3A_73 = arith.select %eq3A_70, %iota3A_65, %broadcast_in_dim3A_72 : vector<128x16xi1>, vector<128x16xi32>
      %reduce_min3A = arith.constant dense<2147483647> : vector<128xi32>
      %reduce_min3A_74 = vector.multi_reduction <minsi>, %select_n3A_73, %reduce_min3A [1] : vector<128x16xi32> to vector<128xi32>
      %broadcast_in_dim3A_75 = vector.shape_cast %reduce_min3A_74 : vector<128xi32> to vector<128x1xi32>
      %eq3A_76 = vector.broadcast %broadcast_in_dim3A_75 : vector<128x1xi32> to vector<128x16xi32>
      %eq3A_77 = arith.cmpi eq, %iota3A_65, %eq3A_76 : vector<128x16xi32>
      %convert_element_type3A_78 = arith.extui %eq3A_77 : vector<128x16xi1> to vector<128x16xi32>
      %convert_element_type3A_79 = arith.sitofp %convert_element_type3A_78 : vector<128x16xi32> to vector<128x16xf32>
      %eq3A_80 = vector.broadcast %broadcast_in_dim3A_75 : vector<128x1xi32> to vector<128x16xi32>
      %eq3A_81 = arith.cmpi eq, %iota3A_65, %eq3A_80 : vector<128x16xi32>
      %jit3A_82 = arith.constant 0xFF800000 : f32
      %broadcast_in_dim3A_83 = vector.broadcast %jit3A_82 : f32 to vector<128x16xf32>
      %select_n3A_84 = arith.select %eq3A_81, %broadcast_in_dim3A_83, %div3A_64 : vector<128x16xi1>, vector<128x16xf32>
      %reduce_max3A_85 = arith.constant dense<0xFF800000> : vector<128xf32>
      %reduce_max3A_86 = vector.multi_reduction <maximumf>, %select_n3A_84, %reduce_max3A_85 [1] : vector<128x16xf32> to vector<128xf32>
      %broadcast_in_dim3A_87 = vector.shape_cast %reduce_max3A_86 : vector<128xf32> to vector<128x1xf32>
      %eq3A_88 = vector.broadcast %broadcast_in_dim3A_87 : vector<128x1xf32> to vector<128x16xf32>
      %eq3A_89 = arith.cmpf oeq, %select_n3A_84, %eq3A_88 : vector<128x16xf32>
      %jit3A_90 = arith.constant 16 : i32
      %broadcast_in_dim3A_91 = vector.broadcast %jit3A_90 : i32 to vector<128x16xi32>
      %select_n3A_92 = arith.select %eq3A_89, %iota3A_65, %broadcast_in_dim3A_91 : vector<128x16xi1>, vector<128x16xi32>
      %reduce_min3A_93 = arith.constant dense<2147483647> : vector<128xi32>
      %reduce_min3A_94 = vector.multi_reduction <minsi>, %select_n3A_92, %reduce_min3A_93 [1] : vector<128x16xi32> to vector<128xi32>
      %broadcast_in_dim3A_95 = vector.shape_cast %reduce_min3A_94 : vector<128xi32> to vector<128x1xi32>
      %eq3A_96 = vector.broadcast %broadcast_in_dim3A_95 : vector<128x1xi32> to vector<128x16xi32>
      %eq3A_97 = arith.cmpi eq, %iota3A_65, %eq3A_96 : vector<128x16xi32>
      %convert_element_type3A_98 = arith.extui %eq3A_97 : vector<128x16xi1> to vector<128x16xi32>
      %convert_element_type3A_99 = arith.sitofp %convert_element_type3A_98 : vector<128x16xi32> to vector<128x16xf32>
      %mul3A_100 = vector.broadcast %broadcast_in_dim3A_68 : vector<128x1xf32> to vector<128x16xf32>
      %mul3A_101 = arith.mulf %mul3A_100, %convert_element_type3A_79 : vector<128x16xf32>
      %mul3A_102 = vector.broadcast %broadcast_in_dim3A_87 : vector<128x1xf32> to vector<128x16xf32>
      %mul3A_103 = arith.mulf %mul3A_102, %convert_element_type3A_99 : vector<128x16xf32>
      %add3A = arith.addf %mul3A_101, %mul3A_103 : vector<128x16xf32>
      %swap3A_104 = arith.constant 0 : index
      %swap3A_105 = arith.constant 0 : index
      %swap3A_106 = vector.load %arg9[%swap3A_104, %swap3A_105] : memref<128x16xf32, #tpu.memory_space<vmem>>, vector<128x16xf32>
      tpu.vector_store %arg9[%swap3A_104, %swap3A_105], %add3A {strides = array<i32>} : memref<128x16xf32, #tpu.memory_space<vmem>>, vector<128x16xf32>,
    } else {
    }
    %get3A = arith.constant 0 : index
    %get3A_4 = arith.constant 0 : index
    %get3A_5 = vector.load %arg2[%get3A, %get3A_4] : memref<128x1024xf32, #tpu.memory_space<vmem>>, vector<128x1024xf32>
    %get3A_6 = arith.constant 0 : index
    %get3A_7 = arith.constant 0 : index
    %get3A_8 = arith.constant 0 : index
    %get3A_9 = vector.load %arg4[%get3A_6, %get3A_7, %get3A_8] : memref<1x1024x1024xf32, #tpu.memory_space<vmem>>, vector<1x1024x1024xf32>
    %get3A_10 = vector.shape_cast %get3A_9 : vector<1x1024x1024xf32> to vector<1024x1024xf32>
    %get3A_11 = arith.constant 0 : index
    %get3A_12 = arith.constant 0 : index
    %get3A_13 = arith.constant 0 : index
    %get3A_14 = vector.load %arg5[%get3A_11, %get3A_12, %get3A_13] : memref<1x1024x1024xf32, #tpu.memory_space<vmem>>, vector<1x1024x1024xf32>
    %get3A_15 = vector.shape_cast %get3A_14 : vector<1x1024x1024xf32> to vector<1024x1024xf32>
    %dot_general3A = arith.constant dense<0.000000e+00> : vector<128x1024xf32>
    %dot_general3A_16 = tpu.matmul %get3A_5, %get3A_10, %dot_general3A {dimension_numbers = #tpu.dot_dimension_numbers<[1], [1], [0], [0], [0, 0, 1, 0], [], []>, transpose_lhs_hint = false} : vector<128x1024xf32>, vector<1024x1024xf32>, vector<128x1024xf32> -> vector<128x1024xf32>
    %dot_general3A_17 = arith.constant dense<0.000000e+00> : vector<128x1024xf32>
    %dot_general3A_18 = tpu.matmul %get3A_5, %get3A_15, %dot_general3A_17 {dimension_numbers = #tpu.dot_dimension_numbers<[1], [1], [0], [0], [0, 0, 1, 0], [], []>, transpose_lhs_hint = false} : vector<128x1024xf32>, vector<1024x1024xf32>, vector<128x1024xf32> -> vector<128x1024xf32>
    %logistic3A = arith.negf %dot_general3A_16 : vector<128x1024xf32>
    %logistic3A_19 = math.exp %logistic3A : vector<128x1024xf32>
    %logistic3A_20 = arith.constant 1.000000e+00 : f32
    %logistic3A_21 = vector.broadcast %logistic3A_20 : f32 to vector<128x1024xf32>
    %logistic3A_22 = arith.addf %logistic3A_21, %logistic3A_19 : vector<128x1024xf32>
    %logistic3A_23 = arith.divf %logistic3A_21, %logistic3A_22 : vector<128x1024xf32>
    %mul3A = arith.mulf %dot_general3A_16, %logistic3A_23 : vector<128x1024xf32>
    %mul3A_24 = arith.mulf %mul3A, %dot_general3A_18 : vector<128x1024xf32>
    %get3A_25 = arith.constant 0 : index
    %get3A_26 = arith.constant 0 : index
    %get3A_27 = vector.load %arg9[%get3A_25, %get3A_26] : memref<128x16xf32, #tpu.memory_space<vmem>>, vector<128x16xf32>
    %iota3A = tpu.iota {dimensions = array<i32: 1>} : vector<128x16xi32>
    %eq3A_28 = vector.broadcast %arg0 : i32 to vector<128x16xi32>
    %eq3A_29 = arith.cmpi eq, %iota3A, %eq3A_28 : vector<128x16xi32>
    %jit3A = arith.constant 0.000000e+00 : f32
    %broadcast_in_dim3A = vector.broadcast %jit3A : f32 to vector<128x16xf32>
    %select_n3A = arith.select %eq3A_29, %get3A_27, %broadcast_in_dim3A : vector<128x16xi1>, vector<128x16xf32>
    %reduce_sum3A = arith.constant dense<0.000000e+00> : vector<128xf32>
    %reduce_sum3A_30 = vector.multi_reduction <add>, %select_n3A, %reduce_sum3A [1] : vector<128x16xf32> to vector<128xf32>
    %broadcast_in_dim3A_31 = vector.shape_cast %reduce_sum3A_30 : vector<128xf32> to vector<128x1xf32>
    %mul3A_32 = vector.broadcast %broadcast_in_dim3A_31 : vector<128x1xf32> to vector<128x1024xf32>
    %mul3A_33 = arith.mulf %mul3A_24, %mul3A_32 : vector<128x1024xf32>
    %get3A_34 = arith.constant 0 : index
    %get3A_35 = arith.constant 0 : index
    %get3A_36 = arith.constant 0 : index
    %get3A_37 = vector.load %arg6[%get3A_34, %get3A_35, %get3A_36] : memref<1x1024x1024xf32, #tpu.memory_space<vmem>>, vector<1x1024x1024xf32>
    %get3A_38 = vector.shape_cast %get3A_37 : vector<1x1024x1024xf32> to vector<1024x1024xf32>
    %dot_general3A_39 = arith.constant dense<0.000000e+00> : vector<128x1024xf32>
    %dot_general3A_40 = tpu.matmul %mul3A_33, %get3A_38, %dot_general3A_39 {dimension_numbers = #tpu.dot_dimension_numbers<[1], [1], [0], [0], [0, 0, 1, 0], [], []>, transpose_lhs_hint = false} : vector<128x1024xf32>, vector<1024x1024xf32>, vector<128x1024xf32> -> vector<128x1024xf32>
    %convert_element_type3A_41 = arith.extui %and3A : i1 to i32
    %cond3A_42 = arith.constant 0 : i32
    %cond3A_43 = arith.cmpi ne, %convert_element_type3A_41, %cond3A_42 : i32
    scf.if %cond3A_43 {
      %swap3A = arith.constant 0 : index
      %swap3A_48 = arith.constant 0 : index
      %swap3A_49 = vector.load %arg7[%swap3A, %swap3A_48] : memref<128x1024xf32, #tpu.memory_space<vmem>>, vector<128x1024xf32>
      tpu.vector_store %arg7[%swap3A, %swap3A_48], %dot_general3A_40 {strides = array<i32>} : memref<128x1024xf32, #tpu.memory_space<vmem>>, vector<128x1024xf32>,
    } else {
    }
    %not3A = arith.constant true
    %not3A_44 = arith.xori %and3A, %not3A : i1
    %convert_element_type3A_45 = arith.extui %not3A_44 : i1 to i32
    %cond3A_46 = arith.constant 0 : i32
    %cond3A_47 = arith.cmpi ne, %convert_element_type3A_45, %cond3A_46 : i32
    scf.if %cond3A_47 {
      %get3A_48 = arith.constant 0 : index
      %get3A_49 = arith.constant 0 : index
      %get3A_50 = vector.load %arg7[%get3A_48, %get3A_49] : memref<128x1024xf32, #tpu.memory_space<vmem>>, vector<128x1024xf32>
      %add3A = arith.addf %get3A_50, %dot_general3A_40 : vector<128x1024xf32>
      %swap3A = arith.constant 0 : index
      %swap3A_51 = arith.constant 0 : index
      %swap3A_52 = vector.load %arg7[%swap3A, %swap3A_51] : memref<128x1024xf32, #tpu.memory_space<vmem>>, vector<128x1024xf32>
      tpu.vector_store %arg7[%swap3A, %swap3A_51], %add3A {strides = array<i32>} : memref<128x1024xf32, #tpu.memory_space<vmem>>, vector<128x1024xf32>,
    } else {
    }
    return
  }
  func.func @transform_0(%arg0: i32, %arg1: i32) -> (i32, i32) {
    %c0_i32 = arith.constant 0 : i32
    %c0_i32_0 = arith.constant 0 : i32
    %c0_i32_1 = arith.constant 0 : i32
    return %c0_i32, %c0_i32_0 : i32, i32
  }
  func.func @transform_1(%arg0: i32, %arg1: i32) -> (i32, i32) {
    %c0_i32 = arith.constant 0 : i32
    %c0_i32_0 = arith.constant 0 : i32
    %c0_i32_1 = arith.constant 0 : i32
    return %c0_i32, %c0_i32_0 : i32, i32
  }
  func.func @transform_2(%arg0: i32, %arg1: i32) -> (i32, i32, i32) {
    %c0_i32 = arith.constant 0 : i32
    %c0_i32_0 = arith.constant 0 : i32
    return %arg0, %arg1, %c0_i32 : i32, i32, i32
  }
  func.func @transform_3(%arg0: i32, %arg1: i32) -> (i32, i32, i32) {
    %c0_i32 = arith.constant 0 : i32
    %c0_i32_0 = arith.constant 0 : i32
    return %arg0, %arg1, %c0_i32 : i32, i32, i32
  }
  func.func @transform_4(%arg0: i32, %arg1: i32) -> (i32, i32, i32) {
    %c0_i32 = arith.constant 0 : i32
    %c0_i32_0 = arith.constant 0 : i32
    return %arg0, %c0_i32, %arg1 : i32, i32, i32
  }
  func.func @transform_5(%arg0: i32, %arg1: i32) -> (i32, i32) {
    %c0_i32 = arith.constant 0 : i32
    %c0_i32_0 = arith.constant 0 : i32
    %c0_i32_1 = arith.constant 0 : i32
    return %c0_i32, %c0_i32_0 : i32, i32
  }
  func.func @transform_6(%arg0: i32, %arg1: i32) -> (i32, i32) {
    %c0_i32 = arith.constant 0 : i32
    %c0_i32_0 = arith.constant 0 : i32
    %c0_i32_1 = arith.constant 0 : i32
    return %c0_i32, %c0_i32_0 : i32, i32
  }
}

</mosaic_0001>

<sc_bundles>
// kernel: kernel.4.cloned.1.call-start
scs
__scs_entry_jumppad:
0x0: {  	(pc) =	sbr.rel $0x88, $3  }
0x1: {  	(tag) =	ssettag $0x0;
	lr =	simm.s32 $0x1  }
0x2: {  	[smem:$0x3F9C] =	sst lr;
	_ =	strace $0xD0000000  }
0x3: {  	_ = 	snop  }
0x4: {  	_ = 	snop  }
0x5: {  	_ = 	snop  }
0x6: {  	_ = 	snop  }
0x7: {  	_ = 	snop  }
__scs_overlays_trampoline_lowered:
0x8: {  	[smem:$0x3FAB] =	sst s0  }
0x9: {  	[smem:$0x3FAC] =	sst s1  }
0xa: {  	[smem:$0x3FAD] =	sst s2  }
0xb: {  	[smem:$0x3FAE] =	sst s3  }
0xc: {  	[smem:$0x3FAF] =	sst s4  }
0xd: {  	[smem:$0x3FB0] =	sst s5  }
0xe: {  	[smem:$0x3FB1] =	sst s6  }
0xf: {  	[smem:$0x3FB2] =	sst s7  }
0x10: {  	[smem:$0x3FB3] =	sst s8  }
0x11: {  	[smem:$0x3FB4] =	sst s9;
	s0 =	simm.s32 @!p0 $0x0  }
0x12: {  	s1 =	sld [smem:$0x3F9A];
	s0 =	simm.s32 @p0 $0x1  }
0x13: {  	[smem:$0x3FB5] =	sst s0;
	s0 =	simm.s32 @!p1 $0x0  }
0x14: {  	s2 =	sld [smem:$0x3F99];
	s0 =	simm.s32 @p1 $0x1  }
0x15: {  	[smem:$0x3FB6] =	sst s0;
	s0 =	simm.s32 @!p2 $0x0  }
0x16: {  	s3 =	sld [smem:$0x3FDB];
	s0 =	simm.s32 @p2 $0x1  }
0x17: {  	s4 =	simm.s32 $0x1BF5;
	[smem:$0x3FB8] =	sst s0  }
0x18: {  	s0 =	sld [smem:$0x3F9B];
	_ =	swait.ge [sflag:s4], $0x0  }
0x19: {  	s7 =	sld [smem:$0x3F9C]  }
0x1a: {  	s8 =	sadd.s32 $0xFFFFE003, lr  }
0x1b: {  	s9 =	sadd.s32 $0xFFFFFEF7, lr;
	s5 =	simm.s32 $0xFFFFFFFF;
	p2 =	slt.u32 s8, $0xFFFFF086  }
0x1c: {  	p1 =	slt.u32 s9, $0xF7A;
	s5 =	simm.s32 @!p2 $0x0  }
0x1d: {  	s5 =	simm.s32 @p1 $0x1;
	p0 =	seq.s32 s7, s2  }
0x1e: {  	s7 =	smul.u32 @!p0 $0xF7A, s2;
	p2 =	seq.s32 @!p0 s5, $0x0  }
0x1f: {  	s9 =	smul.u32 $0xF7A, s1;
	s8 =	simm.s32 @!p0 $0x1BF5;
	p2 =	por !p2, p0  }
0x20: {  	[sflag:s8] =	ssyncset.s32 @!p0 $0xFFFFF086;
	s6 =	sadd.s32 @!p0 s3, s7;
	s7 =	simm.s32 @!p0 $0x108  }
0x21: {  	s3 =	sadd.s32 s3, s9;
	s6 =	sadd.s32 @!p0 $0x88, s6;
	s7 =	simm.s32 @p2 $0x1082  }
0x22: {  	[simem:s7], [sflag:s8] =	dma.local @!p0 [hbm:s6], $0xF7A  }
0x23: {  	s9 =	sor.u32 $0xD0000000, s2;
	s6 =	simm.s32 $0x108;
	_ =	swait.ge @!p0 [sflag:s8], $0x0  }
0x24: {  	s3 =	sadd.s32 $0x88, s3;
	s6 =	simm.s32 @!p1 $0x1082;
	[sflag:s4] =	ssyncset.s32 $0xFFFFF086  }
0x25: {  	[simem:s6], [sflag:s4] =	dma.local [hbm:s3], $0xF7A  }
0x26: {  	[smem:$0x3F9C] =	sst s1;
	(tag) =	ssettag s2;
	_ =	strace s9  }
0x27: {  	s1 =	sld [smem:$0x3FAC]  }
0x28: {  	s2 =	sld [smem:$0x3FAD]  }
0x29: {  	s4 =	sld [smem:$0x3FAF]  }
0x2a: {  	p0 =	seq.s32 s5, $0x0;
	s5 =	sld [smem:$0x3FB0]  }
0x2b: {  	s6 =	sld [smem:$0x3FB1]  }
0x2c: {  	s7 =	sld [smem:$0x3FB2]  }
0x2d: {  	s3 =	simm.s32 $0x108;
	s8 =	sld [smem:$0x3FB3]  }
0x2e: {  	s3 =	simm.s32 @!p0 $0x1082;
	s9 =	sld [smem:$0x3FB4]  }
0x2f: {  	lr =	sadd.s32 s0, s3;
	s0 =	sld [smem:$0x3FAB]  }
0x30: {  	s3 =	sld [smem:$0x3FAE]  }
0x31: {  	[smem:$0x3FB7] =	sst s10  }
0x32: {  	s10 =	sld [smem:$0x3FB5];
	_ =	sdelay $0x3  }
0x33: {  	p0 =	seq.s32 s10, $0x1;
	s10 =	sld [smem:$0x3FB7];
	_ =	sdelay $0x3  }
0x34: {  	[smem:$0x3FB7] =	sst s10  }
0x35: {  	s10 =	sld [smem:$0x3FB6];
	_ =	sdelay $0x3  }
0x36: {  	p1 =	seq.s32 s10, $0x1;
	s10 =	sld [smem:$0x3FB7];
	_ =	sdelay $0x3  }
0x37: {  	[smem:$0x3FB7] =	sst s10  }
0x38: {  	s10 =	sld [smem:$0x3FB8]  }
0x39: {  	_ = 	snop;
	(pc) =	sbr.ind lr, $3  }
0x3a: {  	_ = 	snop  }
0x3b: {  	_ = 	snop  }
0x3c: {  	p2 =	seq.s32 s10, $0x1;
	s10 =	sld [smem:$0x3FB7]  }
0x3d: {  	_ =	shalt  }
0x3e: {  	_ =	shalt  }
0x3f: {  	_ =	shalt  }
0x40: {  	_ =	shalt  }
0x41: {  	_ =	shalt  }
0x42: {  	_ =	shalt  }
0x43: {  	_ =	shalt  }
0x44: {  	_ =	shalt  }
0x45: {  	_ =	shalt  }
0x46: {  	_ =	shalt  }
0x47: {  	_ =	shalt  }
0x48: {  	_ =	shalt  }
0x49: {  	_ =	shalt  }
0x4a: {  	_ =	shalt  }
0x4b: {  	_ =	shalt  }
0x4c: {  	_ =	shalt  }
0x4d: {  	_ =	shalt  }
0x4e: {  	_ =	shalt  }
0x4f: {  	_ =	shalt  }
0x50: {  	_ =	shalt  }
0x51: {  	_ =	shalt  }
0x52: {  	_ =	shalt  }
0x53: {  	_ =	shalt  }
0x54: {  	_ =	shalt  }
0x55: {  	_ =	shalt  }
0x56: {  	_ =	shalt  }
0x57: {  	_ =	shalt  }
0x58: {  	_ =	shalt  }
0x59: {  	_ =	shalt  }
0x5a: {  	_ =	shalt  }
0x5b: {  	_ =	shalt  }
0x5c: {  	_ =	shalt  }
0x5d: {  	_ =	shalt  }
0x5e: {  	_ =	shalt  }
0x5f: {  	_ =	shalt  }
0x60: {  	_ =	shalt  }
0x61: {  	_ =	shalt  }
0x62: {  	_ =	shalt  }
0x63: {  	_ =	shalt  }
0x64: {  	_ =	shalt  }
0x65: {  	_ =	shalt  }
0x66: {  	_ =	shalt  }
0x67: {  	_ =	shalt  }
0x68: {  	_ =	shalt  }
0x69: {  	_ =	shalt  }
0x6a: {  	_ =	shalt  }
0x6b: {  	_ =	shalt  }
0x6c: {  	_ =	shalt  }
0x6d: {  	_ =	shalt  }
0x6e: {  	_ =	shalt  }
0x6f: {  	_ =	shalt  }
0x70: {  	_ =	shalt  }
0x71: {  	_ =	shalt  }
0x72: {  	_ =	shalt  }
0x73: {  	_ =	shalt  }
0x74: {  	_ =	shalt  }
0x75: {  	_ =	shalt  }
0x76: {  	_ =	shalt  }
0x77: {  	_ =	shalt  }
0x78: {  	_ =	shalt  }
0x79: {  	_ =	shalt  }
0x7a: {  	_ =	shalt  }
0x7b: {  	_ =	shalt  }
0x7c: {  	_ =	shalt  }
0x7d: {  	_ =	shalt  }
0x7e: {  	_ =	shalt  }
0x7f: {  	_ =	shalt  }
0x80: {  	_ =	shalt  }
0x81: {  	_ =	shalt  }
0x82: {  	_ =	shalt  }
0x83: {  	_ =	shalt  }
0x84: {  	_ =	shalt  }
0x85: {  	_ =	shalt  }
0x86: {  	_ =	shalt  }
0x87: {  	_ =	shalt  }
.Lfunc_end0:
.L_simem_size_0:
called_computation_lowered:
.L_overlay_start_0:
0x88: {  	s0 =	sld [smem:$0x3FD9]  }
0x89: {  	s1 =	sld [smem:$0x3FFE];
	_ =	sdelay $0x3  }
0x8a: {  	s0 =	sadd.s32 s1, s0  }
0x8b: {  	[smem:$0x3FC3] =	sst s0  }
0x8c: {  	_ = 	snop  }
0x8d: {  	s0 =	sld [smem:$0x3FD0];
	_ =	sdelay $0x2  }
0x8e: {  	s13 =	simm.s32 $0xA;
	s2 =	simm.s32 $0x10  }
0x8f: {  	[smem:s2], [sflag:s13] =	dma.local [hbm:s0], $0x1  }
0x90: {  	_ =	swait.eq [sflag:s13], $0x1  }
0x91: {  	[sflag:s13] =	ssyncset.done $0x0  }
0x92: {  	[sflag:s13] =	ssyncadd.s32 $0xFFFFFFFF  }
0x93: {  	s14 =	sld [smem:$0x11];
	(tm) =	ssettm $0x1  }
0x94: {  	s15 =	sld [smem:$0x3FFB];
	_ =	sdelay $0x3  }
0x95: {  	_ =	strace s15  }
0x96: {  	s1 =	sld [smem:$0x3FFC];
	_ =	sdelay $0x3  }
0x97: {  	_ =	strace s1  }
0x98: {  	s1 =	sld [smem:$0x3FFD];
	_ =	sdelay $0x3  }
0x99: {  	_ =	strace s1  }
0x9a: {  	_ =	strace $0x8FFFFFFF  }
0x9b: {  	s16 =	sld [smem:$0x3FDB];
	_ =	sdelay $0x1  }
0x9c: {  	s17 =	simm.s32 $_scs_section_size  }
0x9d: {  	s3 =	simm.s32 $_size__tile_overlayer_lowered;
	s4 =	simm.s32 $_tile_overlayer_lowered  }
0x9e: {  	s20 =	simm.s32 $0x1BFF;
	s19 =	sshll.u32 s4, $0x1;
	s1 =	sadd.s32 s17, s16  }
0x9f: {  	s5 =	simm.s32 $0x0;
	s18 =	sshll.u32 s3, $0x1;
	s3 =	sadd.s32 s19, s1  }
0xa0: {  	[timem:s5], [sflag:s20] =	dma.local [hbm:s3], s18  }
0xa1: {  	_ =	swait.ge [sflag:s20], s18  }
0xa2: {  	s2 =	ssub.s32 $0x0, s18;
	[sflag:s20] =	ssyncset.done $0x0  }
0xa3: {  	[sflag:s20] =	ssyncadd.s32 s2;
	_ =	sdelay $0x1  }
0xa4: {  	s21 =	simm.s32 $0x1B8B  }
0xa5: {  	_ =	swait.ge [sflag:s21], $0x1  }
0xa6: {  	[sflag:s21] =	ssyncset.done $0x0  }
0xa7: {  	s23 =	simm.s32 $0x1B8E;
	s22 =	sld [smem:$0x3FFE];
	[sflag:s21] =	ssyncadd.s32 $0xFFFFFFFF  }
0xa8: {  	s24 =	simm.s32 $execute0_lowered;
	[smem:$0x3FD2] =	sst s23  }
0xa9: {  	s3 =	sshll.u32 s24, $0x1;
	_ =	strace $0x80000046;
	[dreg:$0x1] =	wrdreg $0xFFFFFFFF  }
0xaa: {  	s25 =	simm.s32 $_size_execute0_lowered;
	s1 =	sadd.s32 s1, s3;
	[dreg:$0x0] =	wrdreg $0x0  }
0xab: {  	s3 =	sshll.u32 s25, $0x1;
	[dreg:$0x2] =	wrdreg s1  }
0xac: {  	[dreg:$0x3] =	wrdreg s3  }
0xad: {  	[dreg:$0x4] =	wrdreg $0xC0  }
0xae: {  	_ =	task [dreg:s5], $0x5FFFF  }
0xaf: {  	[dreg:$0x1] =	wrdreg $0xFFFFFFFF  }
0xb0: {  	[dreg:$0x0] =	wrdreg $0x60  }
0xb1: {  	[dreg:$0x2] =	wrdreg s22  }
0xb2: {  	[dreg:$0x3] =	wrdreg s14  }
0xb3: {  	[dreg:$0x4] =	wrdreg $0x9  }
0xb4: {  	_ =	task.clear_ibuf [dreg:s5], $0x5FFFF;
	_ =	strace $0x90000046  }
0xb5: {  	s26 =	simm.s32 $0x9;
	_ =	strace $0x80000048  }
0xb6: {  	_ =	swait.ge [sflag:s26], $0x1  }
0xb7: {  	[sflag:s26] =	ssyncadd.s32 $0xFFFFFFFF  }
0xb8: {  	_ =	strace $0x90000048  }
0xb9: {  	_ =	sfence  }
0xba: {  	s28 =	sld [smem:$0x0];
	_ =	sdelay $0x1  }
0xbb: {  	s29 =	srdreg.scid  }
0xbc: {  	s30 =	sshll.u32 s29, $0xD;
	s31 =	sshrl.u32 s29, $0x2  }
0xbd: {  	s2 =	sand.u32 $0x4000, s30;
	s1 =	sand.u32 $0x1, s29;
	s0 =	sadd.s32 s31, s28  }
0xbe: {  	s1 =	sor.u32 s2, s1;
	s0 =	sshll.u32 s0, $0x11  }
0xbf: {  	s0 =	sor.u32 s0, s1  }
0xc0: {  	s0 =	sadd.s32 $0x8F2B, s0  }
0xc1: {  	[sflag:s0] =	ssyncadd.remote.s32 $0x1  }
0xc2: {  	_ =	sfence.sel $0xFFFF  }
0xc3: {  	[dreg:$0x0] =	wrdreg $0xFFFFFFFF;
	(pc) =	sbr.abs _section_cstart, $3  }
0xc4: {  	[dreg:$0x1] =	wrdreg $0xFFFFFFFF  }
0xc5: {  	_ =	task.clear_ibuf [dreg:s5], $0x2FFFF;
	_ =	strace $0x9FFFFFFF  }
0xc6: {  	(tm) =	ssettm $0x7FFFFFFF  }
0xc7: {  	_ =	shalt  }
tec
execute0_lowered:
.L_overlay_start_1:
0x0: {  	(tag) =	ssettag $0x1  }
0x1: {  	s5 =	rddreg [dreg:$0x0];
	s4 =	stileid.u32  }
0x2: {  	s1 =	rddreg [dreg:$0x1];
	s2 =	simm.s32 $0x0;
	s3 =	sshll.u32 s4, $0x7  }
0x3: {  	[smem:$0x7FF] =	sst s2;
	s3 =	sadd.s32 s3, s5  }
0x4: {  	s0 =	rddreg [dreg:$0x2];
	_ =	strace $0x80000047;
	s3 =	sadd.s32 $0xE00, s3  }
0x5: {  	[tilespmem:s2], [sflag:$0x1] =	stream.linear.gather [hbm4b:s3+s2], $0x400, $0x38;
	[tilespmem:$0x1580] =	vst v63  }
0x6: {  	s3 =	simm.s32 $0x1  }
0x7: {  	_ =	swait.ge [sflag:s3], $0x400  }
0x8: {  	[sflag:s3] =	ssyncset.done $0x0  }
0x9: {  	[sflag:s3] =	ssyncadd.s32 $0xFFFFFC00  }
0xa: {  	v0 =	vld [tilespmem:$0x0];
	_ =	sdelay $0x4  }
0xb: {  	(xrf0) =	vmax.scan.msk.f32 $0xffff, v0;
	_ =	sdelay $0x5  }
0xc: {  	v1, _, _ =	vpop (xrf0)  }
0xd: {  	v1 =	vbroadcast v1, $0xF;
	_ =	sdelay $0x1  }
0xe: {  	v0 =	vsub.f32 v0, v1;
	_ =	sdelay $0x1  }
0xf: {  	v0 =	vmul.f32 $1.442695020e+00, v0;
	_ =	sdelay $0x1  }
0x10: {  	(erf) = vpow2.f32 v0;
	_ =	sdelay $0x8  }
0x11: {  	v0 =	vpop (erf)  }
0x12: {  	(xrf2) =	vadd.scan.msk.f32 $0xffff, v0;
	_ =	sdelay $0x9  }
0x13: {  	v45, _, _ =	vpop (xrf2)  }
0x14: {  	v1 =	vbroadcast v45, $0xF;
	_ =	sdelay $0x1  }
0x15: {  	(erf) = vrcp.f32 v1;
	_ =	sdelay $0x5  }
0x16: {  	v46 =	vimm.f32 $-1.500000000e+01;
	vm0 =	vcmask $0x300  }
0x17: {  	vm1 =	vcmask $0x704;
	v1 =	vsel vm0, $0x0, v46  }
0x18: {  	vm2 =	vcmask $0xB08;
	v1 =	vsel vm1, $0xBF800000, v1  }
0x19: {  	vm3 =	vcmask $0xF0C;
	v1 =	vsel vm2, $0xC0000000, v1;
	v2 =	vpop (erf)  }
0x1a: {  	vm4 =	vcmask $0x1310;
	v1 =	vsel vm3, $0xC0400000, v1;
	v0 =	vmul.f32 v2, v0  }
0x1b: {  	vm5 =	vcmask $0x1714;
	v1 =	vsel vm4, $0xC0800000, v1  }
0x1c: {  	vm6 =	vcmask $0x1B18;
	v1 =	vsel vm5, $0xC0A00000, v1;
	(xrf0) =	vmax.scan.msk.f32 $0xffff, v0  }
0x1d: {  	vm7 =	vcmask $0x1F1C;
	v1 =	vsel vm6, $0xC0C00000, v1  }
0x1e: {  	vm8 =	vcmask $0x2320;
	v1 =	vsel vm7, $0xC0E00000, v1  }
0x1f: {  	vm9 =	vcmask $0x2724;
	v1 =	vsel vm8, $0xC1000000, v1  }
0x20: {  	vm10 =	vcmask $0x2B28;
	v1 =	vsel vm9, $0xC1100000, v1  }
0x21: {  	vm11 =	vcmask $0x2F2C;
	v1 =	vsel vm10, $0xC1200000, v1  }
0x22: {  	vm12 =	vcmask $0x3330;
	v1 =	vsel vm11, $0xC1300000, v1;
	v47, _, _ =	vpop (xrf0)  }
0x23: {  	vm13 =	vcmask $0x3734;
	v1 =	vsel vm12, $0xC1400000, v1;
	v2 =	vbroadcast v47, $0xF  }
0x24: {  	vm14 =	vcmask $0x3B38;
	v1 =	vsel vm13, $0xC1500000, v1  }
0x25: {  	v48 =	vsel vm14, $0xC1600000, v1;
	vm15 =	veq.f32 v0, v2  }
0x26: {  	v1 =	vnsel vm15, $0xC1800000, v48  }
0x27: {  	(xrf0) =	vmax.scan.msk.f32 $0xffff, v1;
	_ =	sdelay $0x5  }
0x28: {  	v1, _, _ =	vpop (xrf0)  }
0x29: {  	(v2sf) =	vpush v1, $0xF;
	_ =	sdelay $0x2  }
0x2a: {  	v49 =	vimm.f32 $1.500000000e+01  }
0x2b: {  	v1 =	vsel vm0, $0x0, v49  }
0x2c: {  	v1 =	vsel vm1, $0x3F800000, v1  }
0x2d: {  	v1 =	vsel vm2, $0x40000000, v1  }
0x2e: {  	v1 =	vsel vm3, $0x40400000, v1  }
0x2f: {  	v1 =	vsel vm4, $0x40800000, v1  }
0x30: {  	v1 =	vsel vm5, $0x40A00000, v1  }
0x31: {  	v1 =	vsel vm6, $0x40C00000, v1  }
0x32: {  	v1 =	vsel vm7, $0x40E00000, v1  }
0x33: {  	v1 =	vsel vm8, $0x41000000, v1  }
0x34: {  	v1 =	vsel vm9, $0x41100000, v1  }
0x35: {  	v1 =	vsel vm10, $0x41200000, v1  }
0x36: {  	v1 =	vsel vm11, $0x41300000, v1;
	s6 =	spop (v2sf)  }
0x37: {  	v1 =	vsel vm12, $0x41400000, v1;
	s6 =	ssub.f32 $0.0e+00, s6  }
0x38: {  	v1 =	vsel vm13, $0x41500000, v1  }
0x39: {  	v1 =	vsel vm14, $0x41600000, v1;
	v3 =	vmov s6  }
0x3a: {  	vm0 =	veq.f32 v3, v1  }
0x3b: {  	v3 =	vsel vm0, $0xFF800000, v0  }
0x3c: {  	(xrf0) =	vmax.scan.msk.f32 $0xffff, v3;
	_ =	sdelay $0x5  }
0x3d: {  	v4, _, _ =	vpop (xrf0)  }
0x3e: {  	v5 =	vld [tilespmem:$0x80];
	v4 =	vbroadcast v4, $0xF;
	_ =	sdelay $0x1  }
0x3f: {  	vm8 =	veq.f32 v3, v4  }
0x40: {  	v3 =	vnsel vm8, $0xC1800000, v48  }
0x41: {  	(xrf0) =	vmax.scan.msk.f32 $0xffff, v3  }
0x42: {  	(xrf0) =	vmax.scan.msk.f32 $0xffff, v5;
	_ =	sdelay $0x4  }
0x43: {  	v50, _, _ =	vpop (xrf0)  }
0x44: {  	v51, _, _ =	vpop (xrf0)  }
0x45: {  	v3 =	vbroadcast v51, $0xF;
	_ =	sdelay $0x1  }
0x46: {  	v3 =	vsub.f32 v5, v3;
	_ =	sdelay $0x1  }
0x47: {  	v3 =	vmul.f32 $1.442695020e+00, v3;
	_ =	sdelay $0x1  }
0x48: {  	(erf) = vpow2.f32 v3;
	_ =	sdelay $0x8  }
0x49: {  	v3 =	vpop (erf)  }
0x4a: {  	(xrf2) =	vadd.scan.msk.f32 $0xffff, v3;
	_ =	sdelay $0x9  }
0x4b: {  	v52, _, _ =	vpop (xrf2)  }
0x4c: {  	v5 =	vbroadcast v52, $0xF;
	_ =	sdelay $0x1  }
0x4d: {  	(erf) = vrcp.f32 v5;
	_ =	sdelay $0x8  }
0x4e: {  	v5 =	vpop (erf)  }
0x4f: {  	v3 =	vmul.f32 v5, v3;
	_ =	sdelay $0x1  }
0x50: {  	(xrf0) =	vmax.scan.msk.f32 $0xffff, v3;
	_ =	sdelay $0x5  }
0x51: {  	v53, _, _ =	vpop (xrf0)  }
0x52: {  	v5 =	vbroadcast v53, $0xF;
	_ =	sdelay $0x1  }
0x53: {  	vm9 =	veq.f32 v3, v5  }
0x54: {  	v5 =	vnsel vm9, $0xC1800000, v48  }
0x55: {  	(xrf0) =	vmax.scan.msk.f32 $0xffff, v5;
	_ =	sdelay $0x5  }
0x56: {  	(v2sf) =	vpush v50, $0xF;
	v54, _, _ =	vpop (xrf0)  }
0x57: {  	(v2sf) =	vpush v54, $0xF;
	_ =	sdelay $0xd  }
0x58: {  	s15 =	spop (v2sf)  }
0x59: {  	s7 =	spop (v2sf)  }
0x5a: {  	s7 =	ssub.f32 $0.0e+00, s7;
	_ =	sdelay $0x1  }
0x5b: {  	v55 =	vmov s7  }
0x5c: {  	vm1 =	veq.f32 v55, v1  }
0x5d: {  	v4 =	vsel vm1, $0xFF800000, v3  }
0x5e: {  	(xrf0) =	vmax.scan.msk.f32 $0xffff, v4;
	_ =	sdelay $0x5  }
0x5f: {  	v56, _, _ =	vpop (xrf0)  }
0x60: {  	v6 =	vld [tilespmem:$0x100];
	v5 =	vbroadcast v56, $0xF;
	_ =	sdelay $0x1  }
0x61: {  	vm10 =	veq.f32 v4, v5  }
0x62: {  	v4 =	vnsel vm10, $0xC1800000, v48  }
0x63: {  	(xrf0) =	vmax.scan.msk.f32 $0xffff, v4  }
0x64: {  	(xrf0) =	vmax.scan.msk.f32 $0xffff, v6;
	_ =	sdelay $0x4  }
0x65: {  	v57, _, _ =	vpop (xrf0)  }
0x66: {  	v58, _, _ =	vpop (xrf0)  }
0x67: {  	v4 =	vbroadcast v58, $0xF;
	_ =	sdelay $0x1  }
0x68: {  	v4 =	vsub.f32 v6, v4;
	_ =	sdelay $0x1  }
0x69: {  	v4 =	vmul.f32 $1.442695020e+00, v4;
	_ =	sdelay $0x1  }
0x6a: {  	(erf) = vpow2.f32 v4;
	_ =	sdelay $0x8  }
0x6b: {  	v4 =	vpop (erf)  }
0x6c: {  	(xrf2) =	vadd.scan.msk.f32 $0xffff, v4;
	_ =	sdelay $0x9  }
0x6d: {  	v59, _, _ =	vpop (xrf2)  }
0x6e: {  	v6 =	vbroadcast v59, $0xF;
	_ =	sdelay $0x1  }
0x6f: {  	(erf) = vrcp.f32 v6;
	_ =	sdelay $0x8  }
0x70: {  	v6 =	vpop (erf)  }
0x71: {  	v4 =	vmul.f32 v6, v4;
	_ =	sdelay $0x1  }
0x72: {  	(xrf0) =	vmax.scan.msk.f32 $0xffff, v4;
	_ =	sdelay $0x5  }
0x73: {  	v60, _, _ =	vpop (xrf0)  }
0x74: {  	v6 =	vbroadcast v60, $0xF;
	_ =	sdelay $0x1  }
0x75: {  	vm11 =	veq.f32 v4, v6  }
0x76: {  	v6 =	vnsel vm11, $0xC1800000, v48  }
0x77: {  	(xrf0) =	vmax.scan.msk.f32 $0xffff, v6;
	_ =	sdelay $0x5  }
0x78: {  	(v2sf) =	vpush v57, $0xF;
	v61, _, _ =	vpop (xrf0)  }
0x79: {  	(v2sf) =	vpush v61, $0xF;
	_ =	sdelay $0xd  }
0x7a: {  	s16 =	spop (v2sf)  }
0x7b: {  	s8 =	spop (v2sf)  }
0x7c: {  	s8 =	ssub.f32 $0.0e+00, s8;
	_ =	sdelay $0x1  }
0x7d: {  	v62 =	vmov s8  }
0x7e: {  	vm2 =	veq.f32 v62, v1  }
0x7f: {  	v5 =	vsel vm2, $0xFF800000, v4  }
0x80: {  	(xrf0) =	vmax.scan.msk.f32 $0xffff, v5;
	_ =	sdelay $0x5  }
0x81: {  	v63, _, _ =	vpop (xrf0)  }
0x82: {  	v7 =	vld [tilespmem:$0x180];
	v6 =	vbroadcast v63, $0xF;
	_ =	sdelay $0x1  }
0x83: {  	vm12 =	veq.f32 v5, v6  }
0x84: {  	v5 =	vnsel vm12, $0xC1800000, v48  }
0x85: {  	(xrf0) =	vmax.scan.msk.f32 $0xffff, v5  }
0x86: {  	(xrf0) =	vmax.scan.msk.f32 $0xffff, v7;
	_ =	sdelay $0x4  }
0x87: {  	v9, _, _ =	vpop (xrf0)  }
0x88: {  	v10, _, _ =	vpop (xrf0)  }
0x89: {  	v5 =	vbroadcast v10, $0xF;
	_ =	sdelay $0x1  }
0x8a: {  	v5 =	vsub.f32 v7, v5;
	_ =	sdelay $0x1  }
0x8b: {  	v5 =	vmul.f32 $1.442695020e+00, v5;
	_ =	sdelay $0x1  }
0x8c: {  	(erf) = vpow2.f32 v5;
	_ =	sdelay $0x8  }
0x8d: {  	v5 =	vpop (erf)  }
0x8e: {  	(xrf2) =	vadd.scan.msk.f32 $0xffff, v5;
	_ =	sdelay $0x9  }
0x8f: {  	v11, _, _ =	vpop (xrf2)  }
0x90: {  	v7 =	vbroadcast v11, $0xF;
	_ =	sdelay $0x1  }
0x91: {  	(erf) = vrcp.f32 v7;
	_ =	sdelay $0x8  }
0x92: {  	v7 =	vpop (erf)  }
0x93: {  	v5 =	vmul.f32 v7, v5;
	_ =	sdelay $0x1  }
0x94: {  	(xrf0) =	vmax.scan.msk.f32 $0xffff, v5;
	_ =	sdelay $0x5  }
0x95: {  	v12, _, _ =	vpop (xrf0)  }
0x96: {  	v7 =	vbroadcast v12, $0xF;
	_ =	sdelay $0x1  }
0x97: {  	vm13 =	veq.f32 v5, v7  }
0x98: {  	v7 =	vnsel vm13, $0xC1800000, v48  }
0x99: {  	(xrf0) =	vmax.scan.msk.f32 $0xffff, v7;
	_ =	sdelay $0x5  }
0x9a: {  	(v2sf) =	vpush v9, $0xF;
	v13, _, _ =	vpop (xrf0)  }
0x9b: {  	(v2sf) =	vpush v13, $0xF;
	_ =	sdelay $0xd  }
0x9c: {  	s17 =	spop (v2sf)  }
0x9d: {  	s9 =	spop (v2sf)  }
0x9e: {  	s9 =	ssub.f32 $0.0e+00, s9;
	_ =	sdelay $0x1  }
0x9f: {  	v14 =	vmov s9  }
0xa0: {  	vm3 =	veq.f32 v14, v1  }
0xa1: {  	v6 =	vsel vm3, $0xFF800000, v5  }
0xa2: {  	(xrf0) =	vmax.scan.msk.f32 $0xffff, v6;
	_ =	sdelay $0x5  }
0xa3: {  	v15, _, _ =	vpop (xrf0)  }
0xa4: {  	v8 =	vld [tilespmem:$0x200];
	v7 =	vbroadcast v15, $0xF;
	_ =	sdelay $0x1  }
0xa5: {  	vm14 =	veq.f32 v6, v7  }
0xa6: {  	v6 =	vnsel vm14, $0xC1800000, v48  }
0xa7: {  	(xrf0) =	vmax.scan.msk.f32 $0xffff, v6  }
0xa8: {  	(xrf0) =	vmax.scan.msk.f32 $0xffff, v8;
	_ =	sdelay $0x4  }
0xa9: {  	v16, _, _ =	vpop (xrf0)  }
0xaa: {  	v17, _, _ =	vpop (xrf0)  }
0xab: {  	v6 =	vbroadcast v17, $0xF;
	_ =	sdelay $0x1  }
0xac: {  	v6 =	vsub.f32 v8, v6;
	_ =	sdelay $0x1  }
0xad: {  	v6 =	vmul.f32 $1.442695020e+00, v6;
	_ =	sdelay $0x1  }
0xae: {  	(erf) = vpow2.f32 v6;
	_ =	sdelay $0x8  }
0xaf: {  	v6 =	vpop (erf)  }
0xb0: {  	(xrf2) =	vadd.scan.msk.f32 $0xffff, v6;
	_ =	sdelay $0x9  }
0xb1: {  	v18, _, _ =	vpop (xrf2)  }
0xb2: {  	v8 =	vbroadcast v18, $0xF;
	_ =	sdelay $0x1  }
0xb3: {  	(erf) = vrcp.f32 v8;
	_ =	sdelay $0x8  }
0xb4: {  	v8 =	vpop (erf)  }
0xb5: {  	v6 =	vmul.f32 v8, v6;
	_ =	sdelay $0x1  }
0xb6: {  	(xrf0) =	vmax.scan.msk.f32 $0xffff, v6;
	_ =	sdelay $0x5  }
0xb7: {  	v19, _, _ =	vpop (xrf0)  }
0xb8: {  	v8 =	vbroadcast v19, $0xF;
	_ =	sdelay $0x1  }
0xb9: {  	vm15 =	veq.f32 v6, v8  }
0xba: {  	v8 =	vnsel vm15, $0xC1800000, v48  }
0xbb: {  	(xrf0) =	vmax.scan.msk.f32 $0xffff, v8;
	_ =	sdelay $0x5  }
0xbc: {  	(v2sf) =	vpush v16, $0xF;
	v20, _, _ =	vpop (xrf0)  }
0xbd: {  	(v2sf) =	vpush v20, $0xF;
	_ =	sdelay $0xd  }
0xbe: {  	s18 =	spop (v2sf)  }
0xbf: {  	s10 =	spop (v2sf)  }
0xc0: {  	s10 =	ssub.f32 $0.0e+00, s10;
	_ =	sdelay $0x1  }
0xc1: {  	v21 =	vmov s10  }
0xc2: {  	vm4 =	veq.f32 v21, v1  }
0xc3: {  	v7 =	vsel vm4, $0xFF800000, v6  }
0xc4: {  	(xrf0) =	vmax.scan.msk.f32 $0xffff, v7;
	_ =	sdelay $0x5  }
0xc5: {  	v22, _, _ =	vpop (xrf0)  }
0xc6: {  	v9 =	vld [tilespmem:$0x280];
	v8 =	vbroadcast v22, $0xF;
	_ =	sdelay $0x1  }
0xc7: {  	vm8 =	veq.f32 v7, v8  }
0xc8: {  	v7 =	vnsel vm8, $0xC1800000, v48  }
0xc9: {  	(xrf0) =	vmax.scan.msk.f32 $0xffff, v7  }
0xca: {  	(xrf0) =	vmax.scan.msk.f32 $0xffff, v9;
	_ =	sdelay $0x4  }
0xcb: {  	v23, _, _ =	vpop (xrf0)  }
0xcc: {  	v24, _, _ =	vpop (xrf0)  }
0xcd: {  	v7 =	vbroadcast v24, $0xF;
	_ =	sdelay $0x1  }
0xce: {  	v7 =	vsub.f32 v9, v7;
	_ =	sdelay $0x1  }
0xcf: {  	v7 =	vmul.f32 $1.442695020e+00, v7;
	_ =	sdelay $0x1  }
0xd0: {  	(erf) = vpow2.f32 v7;
	_ =	sdelay $0x8  }
0xd1: {  	v7 =	vpop (erf)  }
0xd2: {  	(xrf2) =	vadd.scan.msk.f32 $0xffff, v7;
	_ =	sdelay $0x9  }
0xd3: {  	v25, _, _ =	vpop (xrf2)  }
0xd4: {  	v9 =	vbroadcast v25, $0xF;
	_ =	sdelay $0x1  }
0xd5: {  	(erf) = vrcp.f32 v9;
	_ =	sdelay $0x8  }
0xd6: {  	v9 =	vpop (erf)  }
0xd7: {  	v7 =	vmul.f32 v9, v7;
	_ =	sdelay $0x1  }
0xd8: {  	(xrf0) =	vmax.scan.msk.f32 $0xffff, v7;
	_ =	sdelay $0x5  }
0xd9: {  	v26, _, _ =	vpop (xrf0)  }
0xda: {  	v9 =	vbroadcast v26, $0xF;
	_ =	sdelay $0x1  }
0xdb: {  	vm9 =	veq.f32 v7, v9  }
0xdc: {  	v9 =	vnsel vm9, $0xC1800000, v48  }
0xdd: {  	(xrf0) =	vmax.scan.msk.f32 $0xffff, v9;
	_ =	sdelay $0x5  }
0xde: {  	(v2sf) =	vpush v23, $0xF;
	v27, _, _ =	vpop (xrf0)  }
0xdf: {  	(v2sf) =	vpush v27, $0xF;
	_ =	sdelay $0xd  }
0xe0: {  	s19 =	spop (v2sf)  }
0xe1: {  	s11 =	spop (v2sf)  }
0xe2: {  	s11 =	ssub.f32 $0.0e+00, s11;
	_ =	sdelay $0x1  }
0xe3: {  	v28 =	vmov s11  }
0xe4: {  	vm5 =	veq.f32 v28, v1  }
0xe5: {  	v8 =	vsel vm5, $0xFF800000, v7  }
0xe6: {  	(xrf0) =	vmax.scan.msk.f32 $0xffff, v8;
	_ =	sdelay $0x5  }
0xe7: {  	v29, _, _ =	vpop (xrf0)  }
0xe8: {  	v10 =	vld [tilespmem:$0x300];
	v9 =	vbroadcast v29, $0xF;
	_ =	sdelay $0x1  }
0xe9: {  	vm10 =	veq.f32 v8, v9  }
0xea: {  	v8 =	vnsel vm10, $0xC1800000, v48  }
0xeb: {  	(xrf0) =	vmax.scan.msk.f32 $0xffff, v8  }
0xec: {  	(xrf0) =	vmax.scan.msk.f32 $0xffff, v10;
	_ =	sdelay $0x4  }
0xed: {  	v8, _, _ =	vpop (xrf0)  }
0xee: {  	v30, _, _ =	vpop (xrf0)  }
0xef: {  	v9 =	vbroadcast v30, $0xF;
	_ =	sdelay $0x1  }
0xf0: {  	v9 =	vsub.f32 v10, v9;
	_ =	sdelay $0x1  }
0xf1: {  	v9 =	vmul.f32 $1.442695020e+00, v9;
	_ =	sdelay $0x1  }
0xf2: {  	(erf) = vpow2.f32 v9;
	_ =	sdelay $0x8  }
0xf3: {  	v9 =	vpop (erf)  }
0xf4: {  	(xrf2) =	vadd.scan.msk.f32 $0xffff, v9;
	_ =	sdelay $0x9  }
0xf5: {  	v31, _, _ =	vpop (xrf2)  }
0xf6: {  	v10 =	vbroadcast v31, $0xF;
	_ =	sdelay $0x1  }
0xf7: {  	(erf) = vrcp.f32 v10;
	_ =	sdelay $0x8  }
0xf8: {  	v10 =	vpop (erf)  }
0xf9: {  	v9 =	vmul.f32 v10, v9;
	_ =	sdelay $0x1  }
0xfa: {  	(xrf0) =	vmax.scan.msk.f32 $0xffff, v9;
	_ =	sdelay $0x5  }
0xfb: {  	v32, _, _ =	vpop (xrf0)  }
0xfc: {  	v10 =	vbroadcast v32, $0xF;
	_ =	sdelay $0x1  }
0xfd: {  	vm11 =	veq.f32 v9, v10  }
0xfe: {  	v10 =	vnsel vm11, $0xC1800000, v48  }
0xff: {  	(xrf0) =	vmax.scan.msk.f32 $0xffff, v10;
	_ =	sdelay $0x5  }
0x100: {  	(v2sf) =	vpush v8, $0xF;
	v33, _, _ =	vpop (xrf0)  }
0x101: {  	(v2sf) =	vpush v33, $0xF;
	_ =	sdelay $0xd  }
0x102: {  	s20 =	spop (v2sf)  }
0x103: {  	s12 =	spop (v2sf)  }
0x104: {  	s12 =	ssub.f32 $0.0e+00, s12;
	_ =	sdelay $0x1  }
0x105: {  	v34 =	vmov s12  }
0x106: {  	vm6 =	veq.f32 v34, v1  }
0x107: {  	v8 =	vsel vm6, $0xFF800000, v9  }
0x108: {  	(xrf0) =	vmax.scan.msk.f32 $0xffff, v8;
	_ =	sdelay $0x5  }
0x109: {  	v35, _, _ =	vpop (xrf0)  }
0x10a: {  	v11 =	vld [tilespmem:$0x380];
	v10 =	vbroadcast v35, $0xF;
	_ =	sdelay $0x1  }
0x10b: {  	vm12 =	veq.f32 v8, v10  }
0x10c: {  	v8 =	vnsel vm12, $0xC1800000, v48  }
0x10d: {  	(xrf0) =	vmax.scan.msk.f32 $0xffff, v8  }
0x10e: {  	(xrf0) =	vmax.scan.msk.f32 $0xffff, v11;
	_ =	sdelay $0x4  }
0x10f: {  	v8, _, _ =	vpop (xrf0)  }
0x110: {  	v36, _, _ =	vpop (xrf0)  }
0x111: {  	v10 =	vbroadcast v36, $0xF;
	_ =	sdelay $0x1  }
0x112: {  	v10 =	vsub.f32 v11, v10;
	_ =	sdelay $0x1  }
0x113: {  	v10 =	vmul.f32 $1.442695020e+00, v10;
	_ =	sdelay $0x1  }
0x114: {  	(erf) = vpow2.f32 v10;
	_ =	sdelay $0x8  }
0x115: {  	v10 =	vpop (erf)  }
0x116: {  	(xrf2) =	vadd.scan.msk.f32 $0xffff, v10;
	_ =	sdelay $0x9  }
0x117: {  	v37, _, _ =	vpop (xrf2)  }
0x118: {  	v11 =	vbroadcast v37, $0xF;
	_ =	sdelay $0x1  }
0x119: {  	(erf) = vrcp.f32 v11;
	_ =	sdelay $0x8  }
0x11a: {  	v11 =	vpop (erf)  }
0x11b: {  	v10 =	vmul.f32 v11, v10;
	_ =	sdelay $0x1  }
0x11c: {  	(xrf0) =	vmax.scan.msk.f32 $0xffff, v10;
	_ =	sdelay $0x5  }
0x11d: {  	v38, _, _ =	vpop (xrf0)  }
0x11e: {  	v11 =	vbroadcast v38, $0xF;
	_ =	sdelay $0x1  }
0x11f: {  	vm13 =	veq.f32 v10, v11  }
0x120: {  	v11 =	vnsel vm13, $0xC1800000, v48  }
0x121: {  	(xrf0) =	vmax.scan.msk.f32 $0xffff, v11;
	_ =	sdelay $0x5  }
0x122: {  	(v2sf) =	vpush v8, $0xF;
	v39, _, _ =	vpop (xrf0)  }
0x123: {  	(v2sf) =	vpush v39, $0xF;
	_ =	sdelay $0xd  }
0x124: {  	s21 =	spop (v2sf)  }
0x125: {  	s13 =	spop (v2sf)  }
0x126: {  	s13 =	ssub.f32 $0.0e+00, s13;
	_ =	sdelay $0x1  }
0x127: {  	v40 =	vmov s13  }
0x128: {  	vm7 =	veq.f32 v40, v1  }
0x129: {  	v8 =	vsel vm7, $0xFF800000, v10  }
0x12a: {  	(xrf0) =	vmax.scan.msk.f32 $0xffff, v8;
	_ =	sdelay $0x5  }
0x12b: {  	s6 =	ssub.f32 $0.0e+00, s15;
	v41, _, _ =	vpop (xrf0)  }
0x12c: {  	v11 =	vbroadcast v41, $0xF  }
0x12d: {  	v12 =	vmov s6  }
0x12e: {  	v42 =	vimm.f32 $0.0e+00;
	vm14 =	veq.f32 v12, v1;
	vm15 =	veq.f32 v8, v11  }
0x12f: {  	v43 =	vsel vm0, $0x3F800000, v42;
	s22 =	ssub.f32 $0.0e+00, s16;
	v12 =	vsel vm14, $0x3F800000, v42;
	v2 =	vnsel vm15, $0xC1800000, v48  }
0x130: {  	v11 =	vadd.f32 v12, v43;
	(xrf0) =	vmax.scan.msk.f32 $0xffff, v2  }
0x131: {  	v45 =	vsel vm1, $0x3F800000, v42;
	v44 =	vmov s22  }
0x132: {  	vm9 =	veq.f32 v44, v1;
	v46 =	vadd.f32 v11, v45  }
0x133: {  	s23 =	ssub.f32 $0.0e+00, s17;
	v47 =	vsel vm9, $0x3F800000, v42  }
0x134: {  	v2 =	vadd.f32 v46, v47  }
0x135: {  	v49 =	vsel vm2, $0x3F800000, v42;
	v48 =	vmov s23  }
0x136: {  	vm10 =	veq.f32 v48, v1;
	v2 =	vadd.f32 v2, v49;
	v50, _, _ =	vpop (xrf0)  }
0x137: {  	s24 =	ssub.f32 $0.0e+00, s18;
	v51 =	vsel vm10, $0x3F800000, v42;
	(v2sf) =	vpush v50, $0xF  }
0x138: {  	v2 =	vadd.f32 v2, v51  }
0x139: {  	v53 =	vsel vm3, $0x3F800000, v42;
	v52 =	vmov s24  }
0x13a: {  	vm11 =	veq.f32 v52, v1;
	v2 =	vadd.f32 v2, v53  }
0x13b: {  	s25 =	ssub.f32 $0.0e+00, s19;
	v11 =	vsel vm11, $0x3F800000, v42  }
0x13c: {  	v2 =	vadd.f32 v2, v11  }
0x13d: {  	v0 =	vadd.f32 $0.0e+00, v0;
	v55 =	vsel vm4, $0x3F800000, v42;
	v54 =	vmov s25  }
0x13e: {  	vm12 =	veq.f32 v54, v1;
	v2 =	vadd.f32 v2, v55  }
0x13f: {  	v0 =	vadd.f32 v3, v0;
	s26 =	ssub.f32 $0.0e+00, s20;
	v11 =	vsel vm12, $0x3F800000, v42  }
0x140: {  	v2 =	vadd.f32 v2, v11  }
0x141: {  	v0 =	vadd.f32 v4, v0;
	v57 =	vsel vm5, $0x3F800000, v42;
	v56 =	vmov s26  }
0x142: {  	vm13 =	veq.f32 v56, v1;
	v2 =	vadd.f32 v2, v57  }
0x143: {  	v0 =	vadd.f32 v5, v0;
	s28 =	ssub.f32 $0.0e+00, s21;
	v3 =	vsel vm13, $0x3F800000, v42  }
0x144: {  	v2 =	vadd.f32 v2, v3  }
0x145: {  	v0 =	vadd.f32 v6, v0;
	v59 =	vsel vm6, $0x3F800000, v42;
	v58 =	vmov s28  }
0x146: {  	vm14 =	veq.f32 v58, v1;
	v2 =	vadd.f32 v2, v59;
	s29 =	spop (v2sf)  }
0x147: {  	v0 =	vadd.f32 v7, v0;
	v3 =	vsel vm14, $0x3F800000, v42;
	s6 =	ssub.f32 $0.0e+00, s29  }
0x148: {  	v2 =	vadd.f32 v2, v3  }
0x149: {  	v0 =	vadd.f32 v9, v0;
	v61 =	vsel vm7, $0x3F800000, v42;
	v60 =	vmov s6  }
0x14a: {  	v62 =	vadd.f32 v2, v61;
	vm15 =	veq.f32 v60, v1  }
0x14b: {  	v0 =	vadd.f32 v10, v0;
	v63 =	vsel vm15, $0x3F800000, v42  }
0x14c: {  	v1 =	vadd.f32 v62, v63  }
0x14d: {  	s30 =	sshll.u32 s4, $0x5;
	s5 =	sadd.s32 $0x1600, s5;
	[tilespmem:$0x480] =	vst v0  }
0x14e: {  	s31 =	simm.s32 $0x400;
	s6 =	sadd.s32 s5, s30;
	[tilespmem:$0x400] =	vst v1  }
0x14f: {  	[hbm4b:s6+s2] =	stream.linear.scatter [tilespmem:s31], [sflag:$0x1], $0x100, $0x38;
	[tilespmem:$0x1580] =	vst v63  }
0x150: {  	_ =	swait.ge [sflag:s3], $0x100  }
0x151: {  	[sflag:s3] =	ssyncset.done $0x0  }
0x152: {  	[sflag:s3] =	ssyncadd.s32 $0xFFFFFF00  }
0x153: {  	p0 =	sne.s32 s4, $0x0;
	[bflag:$0x0] =	sbarrier.arrive $0xFFFF  }
0x154: {  	_ =	sfence.sel @p0 $0x180000  }
0x155: {  	[bflag:$0x0] =	sbarrier.arrive @p0 $0xFFFF  }
0x156: {  	_ =	strace @p0 $0x90000047  }
0x157: {  	[bflag:$0x2] =	sbarrier.arrive @p0 $0xFFFF  }
0x158: {  	_ =	shalt @p0  }
.LBB2_1:
0x159: {  	s4 =	simm.s32 $0x500  }
0x15a: {  	[tilespmem:s4], [sflag:$0x1] =	stream.linear.gather [hbm4b:s5+s2], $0x1000, $0x38;
	[tilespmem:$0x1580] =	vst v63  }
0x15b: {  	_ =	swait.ge [sflag:s3], $0x1000  }
0x15c: {  	[sflag:s3] =	ssyncset.done $0x0  }
0x15d: {  	[sflag:s3] =	ssyncadd.s32 $0xFFFFF000  }
0x15e: {  	v0 =	vld [tilespmem:$0x500]  }
0x15f: {  	v1 =	vld [tilespmem:$0x580]  }
0x160: {  	v2 =	vld [tilespmem:$0x600]  }
0x161: {  	v3 =	vld [tilespmem:$0x680]  }
0x162: {  	v4 =	vld [tilespmem:$0x700]  }
0x163: {  	v5 =	vld [tilespmem:$0x780]  }
0x164: {  	v6 =	vld [tilespmem:$0x800];
	v0 =	vadd.f32 $0.0e+00, v0;
	v1 =	vadd.f32 $0.0e+00, v1  }
0x165: {  	v7 =	vld [tilespmem:$0x880]  }
0x166: {  	v39 =	vld [tilespmem:$0x900];
	v0 =	vadd.f32 v2, v0;
	v1 =	vadd.f32 v3, v1  }
0x167: {  	v40 =	vld [tilespmem:$0x980]  }
0x168: {  	v41 =	vld [tilespmem:$0xA00];
	v0 =	vadd.f32 v4, v0;
	v1 =	vadd.f32 v5, v1  }
0x169: {  	v42 =	vld [tilespmem:$0xA80]  }
0x16a: {  	v43 =	vld [tilespmem:$0xB00];
	v0 =	vadd.f32 v6, v0;
	v1 =	vadd.f32 v7, v1  }
0x16b: {  	v44 =	vld [tilespmem:$0xB80]  }
0x16c: {  	v45 =	vld [tilespmem:$0xC00];
	v0 =	vadd.f32 v39, v0;
	v1 =	vadd.f32 v40, v1  }
0x16d: {  	v46 =	vld [tilespmem:$0xC80]  }
0x16e: {  	v47 =	vld [tilespmem:$0xD00];
	v0 =	vadd.f32 v41, v0;
	v1 =	vadd.f32 v42, v1  }
0x16f: {  	v48 =	vld [tilespmem:$0xD80]  }
0x170: {  	v49 =	vld [tilespmem:$0xE00];
	v0 =	vadd.f32 v43, v0;
	v1 =	vadd.f32 v44, v1  }
0x171: {  	v50 =	vld [tilespmem:$0xE80]  }
0x172: {  	v51 =	vld [tilespmem:$0xF00];
	v0 =	vadd.f32 v45, v0;
	v1 =	vadd.f32 v46, v1  }
0x173: {  	v52 =	vld [tilespmem:$0xF80]  }
0x174: {  	v53 =	vld [tilespmem:$0x1000];
	v0 =	vadd.f32 v47, v0;
	v1 =	vadd.f32 v48, v1  }
0x175: {  	v54 =	vld [tilespmem:$0x1080]  }
0x176: {  	v55 =	vld [tilespmem:$0x1100];
	v0 =	vadd.f32 v49, v0;
	v1 =	vadd.f32 v50, v1  }
0x177: {  	v56 =	vld [tilespmem:$0x1180]  }
0x178: {  	v57 =	vld [tilespmem:$0x1200];
	v0 =	vadd.f32 v51, v0;
	v1 =	vadd.f32 v52, v1  }
0x179: {  	v58 =	vld [tilespmem:$0x1280]  }
0x17a: {  	v59 =	vld [tilespmem:$0x1300];
	v0 =	vadd.f32 v53, v0;
	v1 =	vadd.f32 v54, v1  }
0x17b: {  	v60 =	vld [tilespmem:$0x1380]  }
0x17c: {  	v61 =	vld [tilespmem:$0x1400];
	v0 =	vadd.f32 v55, v0;
	v1 =	vadd.f32 v56, v1  }
0x17d: {  	v62 =	vld [tilespmem:$0x1480]  }
0x17e: {  	v0 =	vadd.f32 v57, v0;
	v1 =	vadd.f32 v58, v1;
	_ =	sdelay $0x1  }
0x17f: {  	v0 =	vadd.f32 v59, v0;
	v1 =	vadd.f32 v60, v1;
	_ =	sdelay $0x1  }
0x180: {  	v0 =	vadd.f32 v61, v0;
	v1 =	vadd.f32 v62, v1;
	_ =	sdelay $0x1  }
0x181: {  	v0 =	vmul.f32 v1, v0;
	_ =	sdelay $0x1  }
0x182: {  	(xrf2) =	vadd.scan.msk.f32 $0xffff, v0;
	_ =	sdelay $0x9  }
0x183: {  	v0, _, _ =	vpop (xrf2)  }
0x184: {  	(v2sf) =	vpush v0, $0xF;
	_ =	sdelay $0xe  }
0x185: {  	s30 =	spop (v2sf)  }
0x186: {  	s4 =	smul.f32 $9.765624780e-06, s30;
	_ =	sdelay $0x1  }
0x187: {  	v63 =	vmov s4  }
0x188: {  	s31 =	simm.s32 $0x1500;
	[tilespmem:$0x1500] =	vst v63  }
0x189: {  	[hbm4b:s1+s2] =	stream.linear.scatter [tilespmem:s31], [sflag:$0x1], $0x80, $0x38;
	[tilespmem:$0x1580] =	vst v63  }
0x18a: {  	_ =	swait.ge [sflag:s3], $0x80  }
0x18b: {  	[sflag:s3] =	ssyncset.done $0x0  }
0x18c: {  	[sflag:s3] =	ssyncadd.s32 $0xFFFFFF80  }
0x18d: {  	_ =	sfence.sel $0x180000  }
0x18e: {  	[bflag:$0x0] =	sbarrier.arrive $0xFFFF  }
0x18f: {  	_ =	strace $0x90000047  }
0x190: {  	s0 =	sadd.s32 $0x100000, s0;
	[bflag:$0x2] =	sbarrier.arrive $0xFFFF  }
0x191: {  	[sflag:s0] =	ssyncadd.tile.s32 $0x1;
	_ =	shalt  }
.Lfunc_end2:
_tile_overlayer_lowered:
.L_overlay_start_2:
0x192: {  	(tag) =	ssettag $0x2  }
0x193: {  	s0 =	rddreg [dreg:$0x0];
	s2 =	stileid.u32  }
0x194: {  	s1 =	rddreg [dreg:$0x1];
	p0 =	sne.s32 s2, $0x0  }
0x195: {  	s3 =	rddreg [dreg:$0x2];
	[bflag:$0x3] =	sbarrier.arrive $0xFFFF;
	s2 =	simm.s32 @!p0 $0x1C01  }
0x196: {  	[timem:s3], [sflag:s2] =	dma.local @!p0 [hbm:s0], s1  }
0x197: {  	s0 =	simm.s32 @!p0 $0x1  }
0x198: {  	_ =	swait.ge @!p0 [sflag:s0], s1  }
0x199: {  	s1 =	ssub.s32 @!p0 $0x0, s1;
	[sflag:s0] =	ssyncset.done @!p0 $0x0  }
0x19a: {  	[sflag:s0] =	ssyncadd.s32 @!p0 s1  }
0x19b: {  	[bflag:$0x3] =	sbarrier.arrive $0xFFFF  }
0x19c: {  	_ =	shalt  }

</sc_bundles>
